<compile_context>
chip_gen: v7x
topology: tpu7x:2x2x1
jax: 0.10.2.dev20260603
libtpu: 0.0.44.dev20260713+nightly
codegen_flags: <defaults>
</compile_context>

<pallas_src>
import jax
import jax.numpy as jnp
from jax.experimental import pallas as pl
from jax.experimental.pallas import tpu as pltpu
from jax.scipy.special import ndtri

B = 32
VOCAB = 1000000
SEED = 42
K_PARAM = 4
B_PARAM = 8
PRIOR_TOKENS = 4
TOP_P = 0.9
NUM_DRAFTS = 8

FILL_BLK = 32768
FILL_NBLK = (VOCAB + FILL_BLK - 1) // FILL_BLK

DRAW_BLK = 16384
DRAW_NBLK = (VOCAB + DRAW_BLK - 1) // DRAW_BLK

REC_BLK = 32768
REC_NBLK = (VOCAB + REC_BLK - 1) // REC_BLK

_U32 = jnp.uint32


def _mix32(x):
    x = x.astype(jnp.uint32)
    x = x ^ (x >> 16)
    x = x * jnp.uint32(0x7FEB352D)
    x = x ^ (x >> 15)
    x = x * jnp.uint32(0x846CA68B)
    x = x ^ (x >> 16)
    return x


def _seed_fn(prefix_row):
    h = _mix32(prefix_row.astype(jnp.uint32) * jnp.uint32(2654435761))
    folded = jnp.sum(h, dtype=jnp.uint32)
    kt = _mix32(folded ^ jnp.uint32(SEED) ^ _mix32(jnp.uint32(K_PARAM)) ^ _mix32(jnp.uint32(B_PARAM)) ^ jnp.uint32(PRIOR_TOKENS))
    return kt


def _gauss_scores(kt, cands):
    h = _mix32(jnp.uint32(SEED) ^ _mix32(kt ^ _mix32(cands.astype(jnp.uint32))))
    u = (h.astype(jnp.float32) + 0.5) / jnp.float32(4294967296.0)
    return ndtri(u)



_ROT1 = (13, 15, 26, 6)
_ROT2 = (17, 29, 16, 24)


def _tf_rounds(x0, x1, rots):
    for r in rots:
        x0 = x0 + x1
        x1 = (x1 << _U32(r)) | (x1 >> _U32(32 - r))
        x1 = x0 ^ x1
    return x0, x1


def _tf2x32(ks0, ks1, x0, x1):
    ks2 = ks0 ^ ks1 ^ _U32(0x1BD11BDA)
    x0 = x0 + ks0
    x1 = x1 + ks1
    x0, x1 = _tf_rounds(x0, x1, _ROT1)
    x0 = x0 + ks1
    x1 = x1 + ks2 + _U32(1)
    x0, x1 = _tf_rounds(x0, x1, _ROT2)
    x0 = x0 + ks2
    x1 = x1 + ks0 + _U32(2)
    x0, x1 = _tf_rounds(x0, x1, _ROT1)
    x0 = x0 + ks0
    x1 = x1 + ks1 + _U32(3)
    x0, x1 = _tf_rounds(x0, x1, _ROT2)
    x0 = x0 + ks1
    x1 = x1 + ks2 + _U32(4)
    x0, x1 = _tf_rounds(x0, x1, _ROT1)
    x0 = x0 + ks2
    x1 = x1 + ks0 + _U32(5)
    return x0, x1


def _draws_body(logp_ref, keys_ref, cutoff_ref, out_ref, run_val, run_idx):
    b = pl.program_id(0)
    v = pl.program_id(1)

    @pl.when(v == 0)
    def _init():
        run_val[...] = jnp.full((NUM_DRAFTS, 128), -jnp.inf, jnp.float32)
        run_idx[...] = jnp.full((NUM_DRAFTS, 128), 2**30, jnp.int32)

    cutoff = cutoff_ref[b]

    @pl.when(v * DRAW_BLK <= cutoff)
    def _compute():
        ks0 = keys_ref[b, 0]
        ks1 = keys_ref[b, 1]
        j = v * DRAW_BLK + jax.lax.broadcasted_iota(jnp.int32, (NUM_DRAFTS, DRAW_BLK), 1)
        d = jax.lax.broadcasted_iota(jnp.int32, (NUM_DRAFTS, DRAW_BLK), 0)
        n = (d * jnp.int32(VOCAB) + j).astype(jnp.uint32)
        x0, x1 = _tf2x32(ks0, ks1, jnp.zeros((NUM_DRAFTS, DRAW_BLK), jnp.uint32), n)
        bits = x0 ^ x1
        ubits = (bits >> _U32(9)) | _U32(0x3F800000)
        u = jax.lax.bitcast_convert_type(ubits, jnp.float32) + jnp.float32(-1.0)
        u = jnp.maximum(jnp.float32(1.17549435e-38), u)
        g = -jnp.log(-jnp.log(u))
        logp = logp_ref[0, 0, :]
        score = g + logp[None, :]
        score = jnp.where(j < VOCAB, score, -jnp.inf)
        s3 = score.reshape(NUM_DRAFTS, DRAW_BLK // 128, 128)
        j3 = j.reshape(NUM_DRAFTS, DRAW_BLK // 128, 128)
        bmax = jnp.max(s3, axis=1)
        bidx = jnp.min(jnp.where(s3 == bmax[:, None, :], j3, 2**30), axis=1)
        take = bmax > run_val[...]
        run_idx[...] = jnp.where(take, bidx, run_idx[...])
        run_val[...] = jnp.where(take, bmax, run_val[...])

    @pl.when(v == DRAW_NBLK - 1)
    def _fin():
        rv = run_val[...]
        ri = run_idx[...]
        fmax = jnp.max(rv, axis=1, keepdims=True)
        fidx = jnp.min(jnp.where(rv == fmax, ri, 2**30), axis=1, keepdims=True)
        out_ref[...] = fidx.reshape(1, 1, NUM_DRAFTS)


def _draws(logp, keys, cutoff):
    return pl.pallas_call(
        _draws_body,
        grid=(B, DRAW_NBLK),
        in_specs=[
            pl.BlockSpec((1, 1, DRAW_BLK), lambda b, v: (b, 0, v)),
            pl.BlockSpec(memory_space=pltpu.SMEM),
            pl.BlockSpec(memory_space=pltpu.SMEM),
        ],
        out_specs=pl.BlockSpec((1, 1, NUM_DRAFTS), lambda b, v: (b, 0, 0)),
        out_shape=jax.ShapeDtypeStruct((B, 1, NUM_DRAFTS), jnp.int32),
        scratch_shapes=[
            pltpu.VMEM((NUM_DRAFTS, 128), jnp.float32),
            pltpu.VMEM((NUM_DRAFTS, 128), jnp.int32),
        ],
    )(logp.reshape(B, 1, VOCAB), keys, cutoff)



def _count_body(probs_ref, vstar_ref, gt_ref, eq_ref, acc):
    b = pl.program_id(0)
    v = pl.program_id(1)

    @pl.when(v == 0)
    def _init():
        acc[...] = jnp.zeros((NUM_DRAFTS, 128), jnp.int32)

    p = probs_ref[0, 0, :]
    j = v * REC_BLK + jax.lax.broadcasted_iota(jnp.int32, (1, REC_BLK), 1)
    vs = vstar_ref[0, 0, :]
    gt = (p[None, :] > vs[:, None]) & (j < VOCAB)
    g3 = gt.astype(jnp.int32).reshape(NUM_DRAFTS, REC_BLK // 128, 128)
    acc[...] = acc[...] + jnp.sum(g3, axis=1)
    eq = (p[None, :] == vs[:, None]) & (j < VOCAB)
    e3 = eq.astype(jnp.int32).reshape(NUM_DRAFTS, REC_BLK // 128, 128)
    efold = jnp.sum(e3, axis=1)
    eq_ref[...] = jnp.sum(efold, axis=1, keepdims=True).reshape(1, 1, 1, NUM_DRAFTS)

    @pl.when(v == REC_NBLK - 1)
    def _fin():
        gt_ref[...] = acc[...].reshape(1, NUM_DRAFTS, 128)


def _count_gt(probs, vstar):
    partial, eq_blk = pl.pallas_call(
        _count_body,
        grid=(B, REC_NBLK),
        in_specs=[
            pl.BlockSpec((1, 1, REC_BLK), lambda b, v: (b, 0, v)),
            pl.BlockSpec((1, 1, NUM_DRAFTS), lambda b, v: (b, 0, 0)),
        ],
        out_specs=[
            pl.BlockSpec((1, NUM_DRAFTS, 128), lambda b, v: (b, 0, 0)),
            pl.BlockSpec((1, 1, 1, NUM_DRAFTS), lambda b, v: (b, v, 0, 0)),
        ],
        out_shape=[
            jax.ShapeDtypeStruct((B, NUM_DRAFTS, 128), jnp.int32),
            jax.ShapeDtypeStruct((B, REC_NBLK, 1, NUM_DRAFTS), jnp.int32),
        ],
        scratch_shapes=[pltpu.VMEM((NUM_DRAFTS, 128), jnp.int32)],
    )(probs.reshape(B, 1, VOCAB), vstar.reshape(B, 1, NUM_DRAFTS))
    return jnp.sum(partial, axis=-1), eq_blk.reshape(B, REC_NBLK, NUM_DRAFTS)



def _prefix_lanes(x):
    n = x.shape[-1]
    lane = jax.lax.broadcasted_iota(jnp.int32, x.shape, len(x.shape) - 1)
    k = 1
    while k < n:
        rolled = pltpu.roll(x, k, axis=len(x.shape) - 1)
        x = x + jnp.where(lane >= k, rolled, 0)
        k *= 2
    return x


def _select_body(cb_ref, probs_ref, vstar_ref, rem_ref, out_ref):
    b = pl.program_id(0)
    d = pl.program_id(1)
    cb = cb_ref[b, d]
    rem = rem_ref[b, d]
    vs = vstar_ref[b, d]
    p = probs_ref[0, 0, :]
    j = cb * REC_BLK + jax.lax.broadcasted_iota(jnp.int32, (1, REC_BLK), 1)
    eq = (p[None, :] == vs) & (j < VOCAB)
    pref = _prefix_lanes(eq.astype(jnp.int32))
    tgt = jnp.min(jnp.where(eq & (pref == rem + 1), j, 2**30))
    out_ref[b, d] = tgt


def _select_tokens(probs, vstar, cb, rem):
    return pl.pallas_call(
        _select_body,
        grid_spec=pltpu.PrefetchScalarGridSpec(
            num_scalar_prefetch=1,
            grid=(B, NUM_DRAFTS),
            in_specs=[
                pl.BlockSpec((1, 1, REC_BLK), lambda b, d, cb: (b, 0, cb[b, d])),
                pl.BlockSpec(memory_space=pltpu.SMEM),
                pl.BlockSpec(memory_space=pltpu.SMEM),
            ],
            out_specs=pl.BlockSpec(memory_space=pltpu.SMEM),
        ),
        out_shape=jax.ShapeDtypeStruct((B, NUM_DRAFTS), jnp.int32),
    )(cb, probs.reshape(B, 1, VOCAB), vstar, rem)



def _fill_body(best_ref, out_ref):
    v = pl.program_id(0)
    cols = v * FILL_BLK + jax.lax.broadcasted_iota(jnp.int32, (B, FILL_BLK), 1)
    out_ref[...] = jnp.where(cols == best_ref[...], jnp.float32(100000.0), jnp.float32(1e-05))


def _fill(best):
    return pl.pallas_call(
        _fill_body,
        grid=(FILL_NBLK,),
        in_specs=[pl.BlockSpec((B, 1), lambda v: (0, 0))],
        out_specs=pl.BlockSpec((B, FILL_BLK), lambda v: (0, v)),
        out_shape=jax.ShapeDtypeStruct((B, VOCAB), jnp.float32),
    )(best)



def _probs_row(logits_row):
    return jax.nn.softmax(logits_row, axis=-1)


def _cum_cutoff_row(sorted_row):
    cum = jnp.cumsum(sorted_row)
    cutoff = jnp.searchsorted(cum, jnp.float32(TOP_P), side='left')
    cutoff = jnp.minimum(cutoff, VOCAB - 1)
    return cutoff


def _logp_row(sorted_row, cutoff):
    mask = jnp.arange(VOCAB) <= cutoff
    kept = jnp.where(mask & jnp.isfinite(sorted_row), sorted_row, 0.0)
    logp = jnp.where(kept > 0, jnp.log(jnp.maximum(kept, 1e-37)), -jnp.inf)
    return logp


def kernel(input_ids, logits):
    probs = jax.vmap(_probs_row)(logits)
    (neg_sorted,) = jax.lax.sort((-probs,), dimension=1, is_stable=False, num_keys=1)
    sorted_probs = -neg_sorted
    cutoff = jax.vmap(_cum_cutoff_row)(sorted_probs)
    logp = jax.vmap(_logp_row)(sorted_probs, cutoff)

    keys = jax.random.split(jax.random.key(SEED), B)
    keydata = jax.random.key_data(keys).astype(jnp.uint32)

    jstar = _draws(logp, keydata, cutoff.astype(jnp.int32)).reshape(B, NUM_DRAFTS)
    vstar = jnp.take_along_axis(sorted_probs, jstar, axis=1)

    count_gt, eq_blk = _count_gt(probs, vstar)
    rank = jstar - count_gt.reshape(B, NUM_DRAFTS)
    excl = jnp.cumsum(eq_blk, axis=1) - eq_blk
    incl = jnp.cumsum(eq_blk, axis=1)
    has = (excl <= rank[:, None, :]) & (rank[:, None, :] < incl)
    cb = jnp.argmax(has, axis=1).astype(jnp.int32)
    rem = rank - jnp.take_along_axis(excl, cb[:, None, :], axis=1).reshape(B, NUM_DRAFTS)
    cands = _select_tokens(probs, vstar, cb, rem).reshape(B, NUM_DRAFTS)

    kt = jax.vmap(_seed_fn)(input_ids)
    u = jax.vmap(_gauss_scores)(kt, cands)
    best = jnp.take_along_axis(cands, jnp.argmax(u, axis=1)[:, None], axis=1)

    return _fill(best.astype(jnp.int32))

# --- scband reference (transcript-rebuilt; emitter-appended) ---
"""Pipeline reference for scband-water-max-processor-72859825210034 (READ-ONLY COPY).

The authoritative reference and input builder live on the scoring server;
editing this copy changes nothing except your own understanding.
"""

import jax, jax.numpy as jnp
import numpy as np
from jax.scipy.special import ndtri

B = 32
VOCAB = 1000000
SEQ = 2048
SEED = 42
K_PARAM = 4
B_PARAM = 8
PRIOR_TOKENS = 4
TOP_P = 0.9
NUM_DRAFTS = 8


def _mix32(x):
    x = x.astype(jnp.uint32)
    x = x ^ (x >> 16)
    x = x * jnp.uint32(0x7FEB352D)
    x = x ^ (x >> 15)
    x = x * jnp.uint32(0x846CA68B)
    x = x ^ (x >> 16)
    return x


def _seed_fn(prefix_row):
    # deterministic stand-in for simhash_seed: fold prefix tokens into a 32-bit key
    h = _mix32(prefix_row.astype(jnp.uint32) * jnp.uint32(2654435761))
    folded = jnp.sum(h, dtype=jnp.uint32)
    kt = _mix32(folded ^ jnp.uint32(SEED) ^ _mix32(jnp.uint32(K_PARAM)) ^ _mix32(jnp.uint32(B_PARAM)) ^ jnp.uint32(PRIOR_TOKENS))
    return kt


def _gauss_scores(kt, cands):
    # deterministic stand-in for hmac64 -> rng.standard_normal(): hash -> uniform -> inverse normal CDF
    h = _mix32(jnp.uint32(SEED) ^ _mix32(kt ^ _mix32(cands.astype(jnp.uint32))))
    u = (h.astype(jnp.float32) + 0.5) / jnp.float32(4294967296.0)
    return ndtri(u)


def _process_row(logits_row, prefix_row, key):
    probs = jax.nn.softmax(logits_row, axis=-1)
    order = jnp.argsort(-probs)
    sorted_probs = probs[order]
    cum = jnp.cumsum(sorted_probs)
    cutoff = jnp.searchsorted(cum, jnp.float32(TOP_P), side='left')
    cutoff = jnp.minimum(cutoff, VOCAB - 1)
    mask = jnp.arange(VOCAB) <= cutoff
    kept = jnp.where(mask & jnp.isfinite(sorted_probs), sorted_probs, 0.0)
    logp = jnp.where(kept > 0, jnp.log(jnp.maximum(kept, 1e-37)), -jnp.inf)
    draws = jax.random.categorical(key, logp, shape=(NUM_DRAFTS,))
    cands = order[draws]
    kt = _seed_fn(prefix_row)
    u = _gauss_scores(kt, cands)
    best = cands[jnp.argmax(u)]
    out = jnp.full((VOCAB,), 1e-05, dtype=logits_row.dtype).at[best].set(100000.0)
    return out


def setup_inputs(seed: int = 0):
    key = jax.random.key(seed)
    k1, k2 = jax.random.split(key)
    input_ids = jax.random.randint(k1, (B, SEQ), 0, VOCAB, dtype=jnp.int32)
    logits = jax.random.normal(k2, (B, VOCAB), dtype=jnp.float32)
    return {"input_ids": input_ids, "logits": logits}


def reference(input_ids, logits):
    keys = jax.random.split(jax.random.key(SEED), input_ids.shape[0])
    return jax.vmap(_process_row)(logits, input_ids, keys)

if __name__ == "__main__":
    import jax
    _d = setup_inputs()
    print(jax.jit(kernel)(*tuple(_d.values())))

</pallas_src>

<mosaic_0001>
module attributes {stable_mosaic.version = 14 : i64} {
  func.func @_draws_body(%arg0: i32, %arg1: i32, %arg2: memref<1x1x16384xf32, #tpu.memory_space<vmem>>, %arg3: memref<32x2xi32, #tpu.memory_space<smem>>, %arg4: memref<32xi32, #tpu.memory_space<smem>>, %arg5: memref<1x1x8xi32, #tpu.memory_space<vmem>>, %arg6: memref<8x128xf32, #tpu.memory_space<vmem>>, %arg7: memref<8x128xi32, #tpu.memory_space<vmem>>) attributes {dimension_semantics = [#tpu.dimension_semantics<arbitrary>, #tpu.dimension_semantics<arbitrary>], iteration_bounds = array<i64: 32, 62>, scalar_prefetch = 0 : i64, scratch_operands = 2 : i64, tpu.core_type = #tpu.core_type<tc>, window_params = [{transform_indices = @transform_0, window_bounds = array<i64: 1, 1, 16384>}, {transform_indices = @transform_1, window_bounds = array<i64: 32, 2>}, {transform_indices = @transform_2, window_bounds = array<i64: 32>}, {transform_indices = @transform_3, window_bounds = array<i64: 1, 1, 8>}]} {
    %eq3A = arith.constant 0 : i32
    %eq3A_0 = arith.cmpi eq, %arg1, %eq3A : i32
    %convert_element_type3A = arith.extui %eq3A_0 : i1 to i32
    %cond3A = arith.constant 0 : i32
    %cond3A_1 = arith.cmpi ne, %convert_element_type3A, %cond3A : i32
    scf.if %cond3A_1 {
      %broadcast_in_dim3A = arith.constant 0xFF800000 : f32
      %broadcast_in_dim3A_12 = vector.broadcast %broadcast_in_dim3A : f32 to vector<8x128xf32>
      %swap3A = arith.constant 0 : index
      %swap3A_13 = arith.constant 0 : index
      %swap3A_14 = vector.load %arg6[%swap3A, %swap3A_13] : memref<8x128xf32, #tpu.memory_space<vmem>>, vector<8x128xf32>
      tpu.vector_store %arg6[%swap3A, %swap3A_13], %broadcast_in_dim3A_12 {strides = array<i32>} : memref<8x128xf32, #tpu.memory_space<vmem>>, vector<8x128xf32>,
      %broadcast_in_dim3A_15 = arith.constant 1073741824 : i32
      %broadcast_in_dim3A_16 = vector.broadcast %broadcast_in_dim3A_15 : i32 to vector<8x128xi32>
      %swap3A_17 = arith.constant 0 : index
      %swap3A_18 = arith.constant 0 : index
      %swap3A_19 = vector.load %arg7[%swap3A_17, %swap3A_18] : memref<8x128xi32, #tpu.memory_space<vmem>>, vector<8x128xi32>
      tpu.vector_store %arg7[%swap3A_17, %swap3A_18], %broadcast_in_dim3A_16 {strides = array<i32>} : memref<8x128xi32, #tpu.memory_space<vmem>>, vector<8x128xi32>,
    } else {
    }
    %get3A = arith.index_cast %arg0 : i32 to index
    %get3A_2 = memref.load %arg4[%get3A] : memref<32xi32, #tpu.memory_space<smem>>
    %mul3A = arith.constant 16384 : i32
    %mul3A_3 = arith.muli %arg1, %mul3A : i32
    %le3A = arith.cmpi sle, %mul3A_3, %get3A_2 : i32
    %convert_element_type3A_4 = arith.extui %le3A : i1 to i32
    %cond3A_5 = arith.constant 0 : i32
    %cond3A_6 = arith.cmpi ne, %convert_element_type3A_4, %cond3A_5 : i32
    scf.if %cond3A_6 {
      %get3A_12 = arith.index_cast %arg0 : i32 to index
      %get3A_13 = arith.constant 0 : index
      %get3A_14 = memref.load %arg3[%get3A_12, %get3A_13] : memref<32x2xi32, #tpu.memory_space<smem>>
      %get3A_15 = arith.index_cast %arg0 : i32 to index
      %get3A_16 = arith.constant 1 : index
      %get3A_17 = memref.load %arg3[%get3A_15, %get3A_16] : memref<32x2xi32, #tpu.memory_space<smem>>
      %mul3A_18 = arith.constant 16384 : i32
      %mul3A_19 = arith.muli %arg1, %mul3A_18 : i32
      %iota3A = tpu.iota {dimensions = array<i32: 1>} : vector<8x16384xi32>
      %add3A = vector.broadcast %mul3A_19 : i32 to vector<8x16384xi32>
      %add3A_20 = arith.addi %add3A, %iota3A : vector<8x16384xi32>
      %iota3A_21 = tpu.iota {dimensions = array<i32: 0>} : vector<8x16384xi32>
      %mul3A_22 = arith.constant 1000000 : i32
      %mul3A_23 = vector.broadcast %mul3A_22 : i32 to vector<8x16384xi32>
      %mul3A_24 = arith.muli %iota3A_21, %mul3A_23 : vector<8x16384xi32>
      %add3A_25 = arith.addi %mul3A_24, %add3A_20 : vector<8x16384xi32>
      %broadcast_in_dim3A = arith.constant 0 : i32
      %broadcast_in_dim3A_26 = vector.broadcast %broadcast_in_dim3A : i32 to vector<8x16384xi32>
      %xor3A = arith.xori %get3A_14, %get3A_17 : i32
      %xor3A_27 = arith.constant 466688986 : i32
      %xor3A_28 = arith.xori %xor3A, %xor3A_27 : i32
      %add3A_29 = vector.broadcast %get3A_14 : i32 to vector<8x16384xi32>
      %add3A_30 = arith.addi %broadcast_in_dim3A_26, %add3A_29 : vector<8x16384xi32>
      %add3A_31 = vector.broadcast %get3A_17 : i32 to vector<8x16384xi32>
      %add3A_32 = arith.addi %add3A_25, %add3A_31 : vector<8x16384xi32>
      %add3A_33 = arith.addi %add3A_30, %add3A_32 : vector<8x16384xi32>
      %shift_left3A = arith.constant 13 : i32
      %shift_left3A_34 = vector.broadcast %shift_left3A : i32 to vector<8x16384xi32>
      %shift_left3A_35 = arith.shli %add3A_32, %shift_left3A_34 : vector<8x16384xi32>
      %shift_right_logical3A = arith.constant 19 : i32
      %shift_right_logical3A_36 = vector.broadcast %shift_right_logical3A : i32 to vector<8x16384xi32>
      %shift_right_logical3A_37 = arith.shrui %add3A_32, %shift_right_logical3A_36 : vector<8x16384xi32>
      %or3A = arith.ori %shift_left3A_35, %shift_right_logical3A_37 : vector<8x16384xi32>
      %xor3A_38 = arith.xori %add3A_33, %or3A : vector<8x16384xi32>
      %add3A_39 = arith.addi %add3A_33, %xor3A_38 : vector<8x16384xi32>
      %shift_left3A_40 = arith.constant 15 : i32
      %shift_left3A_41 = vector.broadcast %shift_left3A_40 : i32 to vector<8x16384xi32>
      %shift_left3A_42 = arith.shli %xor3A_38, %shift_left3A_41 : vector<8x16384xi32>
      %shift_right_logical3A_43 = arith.constant 17 : i32
      %shift_right_logical3A_44 = vector.broadcast %shift_right_logical3A_43 : i32 to vector<8x16384xi32>
      %shift_right_logical3A_45 = arith.shrui %xor3A_38, %shift_right_logical3A_44 : vector<8x16384xi32>
      %or3A_46 = arith.ori %shift_left3A_42, %shift_right_logical3A_45 : vector<8x16384xi32>
      %xor3A_47 = arith.xori %add3A_39, %or3A_46 : vector<8x16384xi32>
      %add3A_48 = arith.addi %add3A_39, %xor3A_47 : vector<8x16384xi32>
      %shift_left3A_49 = arith.constant 26 : i32
      %shift_left3A_50 = vector.broadcast %shift_left3A_49 : i32 to vector<8x16384xi32>
      %shift_left3A_51 = arith.shli %xor3A_47, %shift_left3A_50 : vector<8x16384xi32>
      %shift_right_logical3A_52 = arith.constant 6 : i32
      %shift_right_logical3A_53 = vector.broadcast %shift_right_logical3A_52 : i32 to vector<8x16384xi32>
      %shift_right_logical3A_54 = arith.shrui %xor3A_47, %shift_right_logical3A_53 : vector<8x16384xi32>
      %or3A_55 = arith.ori %shift_left3A_51, %shift_right_logical3A_54 : vector<8x16384xi32>
      %xor3A_56 = arith.xori %add3A_48, %or3A_55 : vector<8x16384xi32>
      %add3A_57 = arith.addi %add3A_48, %xor3A_56 : vector<8x16384xi32>
      %shift_left3A_58 = arith.constant 6 : i32
      %shift_left3A_59 = vector.broadcast %shift_left3A_58 : i32 to vector<8x16384xi32>
      %shift_left3A_60 = arith.shli %xor3A_56, %shift_left3A_59 : vector<8x16384xi32>
      %shift_right_logical3A_61 = arith.constant 26 : i32
      %shift_right_logical3A_62 = vector.broadcast %shift_right_logical3A_61 : i32 to vector<8x16384xi32>
      %shift_right_logical3A_63 = arith.shrui %xor3A_56, %shift_right_logical3A_62 : vector<8x16384xi32>
      %or3A_64 = arith.ori %shift_left3A_60, %shift_right_logical3A_63 : vector<8x16384xi32>
      %xor3A_65 = arith.xori %add3A_57, %or3A_64 : vector<8x16384xi32>
      %add3A_66 = vector.broadcast %get3A_17 : i32 to vector<8x16384xi32>
      %add3A_67 = arith.addi %add3A_57, %add3A_66 : vector<8x16384xi32>
      %add3A_68 = vector.broadcast %xor3A_28 : i32 to vector<8x16384xi32>
      %add3A_69 = arith.addi %xor3A_65, %add3A_68 : vector<8x16384xi32>
      %add3A_70 = arith.constant 1 : i32
      %add3A_71 = vector.broadcast %add3A_70 : i32 to vector<8x16384xi32>
      %add3A_72 = arith.addi %add3A_69, %add3A_71 : vector<8x16384xi32>
      %add3A_73 = arith.addi %add3A_67, %add3A_72 : vector<8x16384xi32>
      %shift_left3A_74 = arith.constant 17 : i32
      %shift_left3A_75 = vector.broadcast %shift_left3A_74 : i32 to vector<8x16384xi32>
      %shift_left3A_76 = arith.shli %add3A_72, %shift_left3A_75 : vector<8x16384xi32>
      %shift_right_logical3A_77 = arith.constant 15 : i32
      %shift_right_logical3A_78 = vector.broadcast %shift_right_logical3A_77 : i32 to vector<8x16384xi32>
      %shift_right_logical3A_79 = arith.shrui %add3A_72, %shift_right_logical3A_78 : vector<8x16384xi32>
      %or3A_80 = arith.ori %shift_left3A_76, %shift_right_logical3A_79 : vector<8x16384xi32>
      %xor3A_81 = arith.xori %add3A_73, %or3A_80 : vector<8x16384xi32>
      %add3A_82 = arith.addi %add3A_73, %xor3A_81 : vector<8x16384xi32>
      %shift_left3A_83 = arith.constant 29 : i32
      %shift_left3A_84 = vector.broadcast %shift_left3A_83 : i32 to vector<8x16384xi32>
      %shift_left3A_85 = arith.shli %xor3A_81, %shift_left3A_84 : vector<8x16384xi32>
      %shift_right_logical3A_86 = arith.constant 3 : i32
      %shift_right_logical3A_87 = vector.broadcast %shift_right_logical3A_86 : i32 to vector<8x16384xi32>
      %shift_right_logical3A_88 = arith.shrui %xor3A_81, %shift_right_logical3A_87 : vector<8x16384xi32>
      %or3A_89 = arith.ori %shift_left3A_85, %shift_right_logical3A_88 : vector<8x16384xi32>
      %xor3A_90 = arith.xori %add3A_82, %or3A_89 : vector<8x16384xi32>
      %add3A_91 = arith.addi %add3A_82, %xor3A_90 : vector<8x16384xi32>
      %shift_left3A_92 = arith.constant 16 : i32
      %shift_left3A_93 = vector.broadcast %shift_left3A_92 : i32 to vector<8x16384xi32>
      %shift_left3A_94 = arith.shli %xor3A_90, %shift_left3A_93 : vector<8x16384xi32>
      %shift_right_logical3A_95 = arith.constant 16 : i32
      %shift_right_logical3A_96 = vector.broadcast %shift_right_logical3A_95 : i32 to vector<8x16384xi32>
      %shift_right_logical3A_97 = arith.shrui %xor3A_90, %shift_right_logical3A_96 : vector<8x16384xi32>
      %or3A_98 = arith.ori %shift_left3A_94, %shift_right_logical3A_97 : vector<8x16384xi32>
      %xor3A_99 = arith.xori %add3A_91, %or3A_98 : vector<8x16384xi32>
      %add3A_100 = arith.addi %add3A_91, %xor3A_99 : vector<8x16384xi32>
      %shift_left3A_101 = arith.constant 24 : i32
      %shift_left3A_102 = vector.broadcast %shift_left3A_101 : i32 to vector<8x16384xi32>
      %shift_left3A_103 = arith.shli %xor3A_99, %shift_left3A_102 : vector<8x16384xi32>
      %shift_right_logical3A_104 = arith.constant 8 : i32
      %shift_right_logical3A_105 = vector.broadcast %shift_right_logical3A_104 : i32 to vector<8x16384xi32>
      %shift_right_logical3A_106 = arith.shrui %xor3A_99, %shift_right_logical3A_105 : vector<8x16384xi32>
      %or3A_107 = arith.ori %shift_left3A_103, %shift_right_logical3A_106 : vector<8x16384xi32>
      %xor3A_108 = arith.xori %add3A_100, %or3A_107 : vector<8x16384xi32>
      %add3A_109 = vector.broadcast %xor3A_28 : i32 to vector<8x16384xi32>
      %add3A_110 = arith.addi %add3A_100, %add3A_109 : vector<8x16384xi32>
      %add3A_111 = vector.broadcast %get3A_14 : i32 to vector<8x16384xi32>
      %add3A_112 = arith.addi %xor3A_108, %add3A_111 : vector<8x16384xi32>
      %add3A_113 = arith.constant 2 : i32
      %add3A_114 = vector.broadcast %add3A_113 : i32 to vector<8x16384xi32>
      %add3A_115 = arith.addi %add3A_112, %add3A_114 : vector<8x16384xi32>
      %add3A_116 = arith.addi %add3A_110, %add3A_115 : vector<8x16384xi32>
      %shift_left3A_117 = arith.constant 13 : i32
      %shift_left3A_118 = vector.broadcast %shift_left3A_117 : i32 to vector<8x16384xi32>
      %shift_left3A_119 = arith.shli %add3A_115, %shift_left3A_118 : vector<8x16384xi32>
      %shift_right_logical3A_120 = arith.constant 19 : i32
      %shift_right_logical3A_121 = vector.broadcast %shift_right_logical3A_120 : i32 to vector<8x16384xi32>
      %shift_right_logical3A_122 = arith.shrui %add3A_115, %shift_right_logical3A_121 : vector<8x16384xi32>
      %or3A_123 = arith.ori %shift_left3A_119, %shift_right_logical3A_122 : vector<8x16384xi32>
      %xor3A_124 = arith.xori %add3A_116, %or3A_123 : vector<8x16384xi32>
      %add3A_125 = arith.addi %add3A_116, %xor3A_124 : vector<8x16384xi32>
      %shift_left3A_126 = arith.constant 15 : i32
      %shift_left3A_127 = vector.broadcast %shift_left3A_126 : i32 to vector<8x16384xi32>
      %shift_left3A_128 = arith.shli %xor3A_124, %shift_left3A_127 : vector<8x16384xi32>
      %shift_right_logical3A_129 = arith.constant 17 : i32
      %shift_right_logical3A_130 = vector.broadcast %shift_right_logical3A_129 : i32 to vector<8x16384xi32>
      %shift_right_logical3A_131 = arith.shrui %xor3A_124, %shift_right_logical3A_130 : vector<8x16384xi32>
      %or3A_132 = arith.ori %shift_left3A_128, %shift_right_logical3A_131 : vector<8x16384xi32>
      %xor3A_133 = arith.xori %add3A_125, %or3A_132 : vector<8x16384xi32>
      %add3A_134 = arith.addi %add3A_125, %xor3A_133 : vector<8x16384xi32>
      %shift_left3A_135 = arith.constant 26 : i32
      %shift_left3A_136 = vector.broadcast %shift_left3A_135 : i32 to vector<8x16384xi32>
      %shift_left3A_137 = arith.shli %xor3A_133, %shift_left3A_136 : vector<8x16384xi32>
      %shift_right_logical3A_138 = arith.constant 6 : i32
      %shift_right_logical3A_139 = vector.broadcast %shift_right_logical3A_138 : i32 to vector<8x16384xi32>
      %shift_right_logical3A_140 = arith.shrui %xor3A_133, %shift_right_logical3A_139 : vector<8x16384xi32>
      %or3A_141 = arith.ori %shift_left3A_137, %shift_right_logical3A_140 : vector<8x16384xi32>
      %xor3A_142 = arith.xori %add3A_134, %or3A_141 : vector<8x16384xi32>
      %add3A_143 = arith.addi %add3A_134, %xor3A_142 : vector<8x16384xi32>
      %shift_left3A_144 = arith.constant 6 : i32
      %shift_left3A_145 = vector.broadcast %shift_left3A_144 : i32 to vector<8x16384xi32>
      %shift_left3A_146 = arith.shli %xor3A_142, %shift_left3A_145 : vector<8x16384xi32>
      %shift_right_logical3A_147 = arith.constant 26 : i32
      %shift_right_logical3A_148 = vector.broadcast %shift_right_logical3A_147 : i32 to vector<8x16384xi32>
      %shift_right_logical3A_149 = arith.shrui %xor3A_142, %shift_right_logical3A_148 : vector<8x16384xi32>
      %or3A_150 = arith.ori %shift_left3A_146, %shift_right_logical3A_149 : vector<8x16384xi32>
      %xor3A_151 = arith.xori %add3A_143, %or3A_150 : vector<8x16384xi32>
      %add3A_152 = vector.broadcast %get3A_14 : i32 to vector<8x16384xi32>
      %add3A_153 = arith.addi %add3A_143, %add3A_152 : vector<8x16384xi32>
      %add3A_154 = vector.broadcast %get3A_17 : i32 to vector<8x16384xi32>
      %add3A_155 = arith.addi %xor3A_151, %add3A_154 : vector<8x16384xi32>
      %add3A_156 = arith.constant 3 : i32
      %add3A_157 = vector.broadcast %add3A_156 : i32 to vector<8x16384xi32>
      %add3A_158 = arith.addi %add3A_155, %add3A_157 : vector<8x16384xi32>
      %add3A_159 = arith.addi %add3A_153, %add3A_158 : vector<8x16384xi32>
      %shift_left3A_160 = arith.constant 17 : i32
      %shift_left3A_161 = vector.broadcast %shift_left3A_160 : i32 to vector<8x16384xi32>
      %shift_left3A_162 = arith.shli %add3A_158, %shift_left3A_161 : vector<8x16384xi32>
      %shift_right_logical3A_163 = arith.constant 15 : i32
      %shift_right_logical3A_164 = vector.broadcast %shift_right_logical3A_163 : i32 to vector<8x16384xi32>
      %shift_right_logical3A_165 = arith.shrui %add3A_158, %shift_right_logical3A_164 : vector<8x16384xi32>
      %or3A_166 = arith.ori %shift_left3A_162, %shift_right_logical3A_165 : vector<8x16384xi32>
      %xor3A_167 = arith.xori %add3A_159, %or3A_166 : vector<8x16384xi32>
      %add3A_168 = arith.addi %add3A_159, %xor3A_167 : vector<8x16384xi32>
      %shift_left3A_169 = arith.constant 29 : i32
      %shift_left3A_170 = vector.broadcast %shift_left3A_169 : i32 to vector<8x16384xi32>
      %shift_left3A_171 = arith.shli %xor3A_167, %shift_left3A_170 : vector<8x16384xi32>
      %shift_right_logical3A_172 = arith.constant 3 : i32
      %shift_right_logical3A_173 = vector.broadcast %shift_right_logical3A_172 : i32 to vector<8x16384xi32>
      %shift_right_logical3A_174 = arith.shrui %xor3A_167, %shift_right_logical3A_173 : vector<8x16384xi32>
      %or3A_175 = arith.ori %shift_left3A_171, %shift_right_logical3A_174 : vector<8x16384xi32>
      %xor3A_176 = arith.xori %add3A_168, %or3A_175 : vector<8x16384xi32>
      %add3A_177 = arith.addi %add3A_168, %xor3A_176 : vector<8x16384xi32>
      %shift_left3A_178 = arith.constant 16 : i32
      %shift_left3A_179 = vector.broadcast %shift_left3A_178 : i32 to vector<8x16384xi32>
      %shift_left3A_180 = arith.shli %xor3A_176, %shift_left3A_179 : vector<8x16384xi32>
      %shift_right_logical3A_181 = arith.constant 16 : i32
      %shift_right_logical3A_182 = vector.broadcast %shift_right_logical3A_181 : i32 to vector<8x16384xi32>
      %shift_right_logical3A_183 = arith.shrui %xor3A_176, %shift_right_logical3A_182 : vector<8x16384xi32>
      %or3A_184 = arith.ori %shift_left3A_180, %shift_right_logical3A_183 : vector<8x16384xi32>
      %xor3A_185 = arith.xori %add3A_177, %or3A_184 : vector<8x16384xi32>
      %add3A_186 = arith.addi %add3A_177, %xor3A_185 : vector<8x16384xi32>
      %shift_left3A_187 = arith.constant 24 : i32
      %shift_left3A_188 = vector.broadcast %shift_left3A_187 : i32 to vector<8x16384xi32>
      %shift_left3A_189 = arith.shli %xor3A_185, %shift_left3A_188 : vector<8x16384xi32>
      %shift_right_logical3A_190 = arith.constant 8 : i32
      %shift_right_logical3A_191 = vector.broadcast %shift_right_logical3A_190 : i32 to vector<8x16384xi32>
      %shift_right_logical3A_192 = arith.shrui %xor3A_185, %shift_right_logical3A_191 : vector<8x16384xi32>
      %or3A_193 = arith.ori %shift_left3A_189, %shift_right_logical3A_192 : vector<8x16384xi32>
      %xor3A_194 = arith.xori %add3A_186, %or3A_193 : vector<8x16384xi32>
      %add3A_195 = vector.broadcast %get3A_17 : i32 to vector<8x16384xi32>
      %add3A_196 = arith.addi %add3A_186, %add3A_195 : vector<8x16384xi32>
      %add3A_197 = vector.broadcast %xor3A_28 : i32 to vector<8x16384xi32>
      %add3A_198 = arith.addi %xor3A_194, %add3A_197 : vector<8x16384xi32>
      %add3A_199 = arith.constant 4 : i32
      %add3A_200 = vector.broadcast %add3A_199 : i32 to vector<8x16384xi32>
      %add3A_201 = arith.addi %add3A_198, %add3A_200 : vector<8x16384xi32>
      %add3A_202 = arith.addi %add3A_196, %add3A_201 : vector<8x16384xi32>
      %shift_left3A_203 = arith.constant 13 : i32
      %shift_left3A_204 = vector.broadcast %shift_left3A_203 : i32 to vector<8x16384xi32>
      %shift_left3A_205 = arith.shli %add3A_201, %shift_left3A_204 : vector<8x16384xi32>
      %shift_right_logical3A_206 = arith.constant 19 : i32
      %shift_right_logical3A_207 = vector.broadcast %shift_right_logical3A_206 : i32 to vector<8x16384xi32>
      %shift_right_logical3A_208 = arith.shrui %add3A_201, %shift_right_logical3A_207 : vector<8x16384xi32>
      %or3A_209 = arith.ori %shift_left3A_205, %shift_right_logical3A_208 : vector<8x16384xi32>
      %xor3A_210 = arith.xori %add3A_202, %or3A_209 : vector<8x16384xi32>
      %add3A_211 = arith.addi %add3A_202, %xor3A_210 : vector<8x16384xi32>
      %shift_left3A_212 = arith.constant 15 : i32
      %shift_left3A_213 = vector.broadcast %shift_left3A_212 : i32 to vector<8x16384xi32>
      %shift_left3A_214 = arith.shli %xor3A_210, %shift_left3A_213 : vector<8x16384xi32>
      %shift_right_logical3A_215 = arith.constant 17 : i32
      %shift_right_logical3A_216 = vector.broadcast %shift_right_logical3A_215 : i32 to vector<8x16384xi32>
      %shift_right_logical3A_217 = arith.shrui %xor3A_210, %shift_right_logical3A_216 : vector<8x16384xi32>
      %or3A_218 = arith.ori %shift_left3A_214, %shift_right_logical3A_217 : vector<8x16384xi32>
      %xor3A_219 = arith.xori %add3A_211, %or3A_218 : vector<8x16384xi32>
      %add3A_220 = arith.addi %add3A_211, %xor3A_219 : vector<8x16384xi32>
      %shift_left3A_221 = arith.constant 26 : i32
      %shift_left3A_222 = vector.broadcast %shift_left3A_221 : i32 to vector<8x16384xi32>
      %shift_left3A_223 = arith.shli %xor3A_219, %shift_left3A_222 : vector<8x16384xi32>
      %shift_right_logical3A_224 = arith.constant 6 : i32
      %shift_right_logical3A_225 = vector.broadcast %shift_right_logical3A_224 : i32 to vector<8x16384xi32>
      %shift_right_logical3A_226 = arith.shrui %xor3A_219, %shift_right_logical3A_225 : vector<8x16384xi32>
      %or3A_227 = arith.ori %shift_left3A_223, %shift_right_logical3A_226 : vector<8x16384xi32>
      %xor3A_228 = arith.xori %add3A_220, %or3A_227 : vector<8x16384xi32>
      %add3A_229 = arith.addi %add3A_220, %xor3A_228 : vector<8x16384xi32>
      %shift_left3A_230 = arith.constant 6 : i32
      %shift_left3A_231 = vector.broadcast %shift_left3A_230 : i32 to vector<8x16384xi32>
      %shift_left3A_232 = arith.shli %xor3A_228, %shift_left3A_231 : vector<8x16384xi32>
      %shift_right_logical3A_233 = arith.constant 26 : i32
      %shift_right_logical3A_234 = vector.broadcast %shift_right_logical3A_233 : i32 to vector<8x16384xi32>
      %shift_right_logical3A_235 = arith.shrui %xor3A_228, %shift_right_logical3A_234 : vector<8x16384xi32>
      %or3A_236 = arith.ori %shift_left3A_232, %shift_right_logical3A_235 : vector<8x16384xi32>
      %xor3A_237 = arith.xori %add3A_229, %or3A_236 : vector<8x16384xi32>
      %add3A_238 = vector.broadcast %xor3A_28 : i32 to vector<8x16384xi32>
      %add3A_239 = arith.addi %add3A_229, %add3A_238 : vector<8x16384xi32>
      %add3A_240 = vector.broadcast %get3A_14 : i32 to vector<8x16384xi32>
      %add3A_241 = arith.addi %xor3A_237, %add3A_240 : vector<8x16384xi32>
      %add3A_242 = arith.constant 5 : i32
      %add3A_243 = vector.broadcast %add3A_242 : i32 to vector<8x16384xi32>
      %add3A_244 = arith.addi %add3A_241, %add3A_243 : vector<8x16384xi32>
      %xor3A_245 = arith.xori %add3A_239, %add3A_244 : vector<8x16384xi32>
      %shift_right_logical3A_246 = arith.constant 9 : i32
      %shift_right_logical3A_247 = vector.broadcast %shift_right_logical3A_246 : i32 to vector<8x16384xi32>
      %shift_right_logical3A_248 = arith.shrui %xor3A_245, %shift_right_logical3A_247 : vector<8x16384xi32>
      %or3A_249 = arith.constant 1065353216 : i32
      %or3A_250 = vector.broadcast %or3A_249 : i32 to vector<8x16384xi32>
      %or3A_251 = arith.ori %shift_right_logical3A_248, %or3A_250 : vector<8x16384xi32>
      %bitcast_convert_type3A = tpu.bitcast %or3A_251 : vector<8x16384xi32> -> vector<8x16384xf32>
      %add3A_252 = arith.constant -1.000000e+00 : f32
      %add3A_253 = vector.broadcast %add3A_252 : f32 to vector<8x16384xf32>
      %add3A_254 = arith.addf %bitcast_convert_type3A, %add3A_253 : vector<8x16384xf32>
      %max3A = arith.constant 1.17549435E-38 : f32
      %max3A_255 = vector.broadcast %max3A : f32 to vector<8x16384xf32>
      %max3A_256 = arith.maximumf %max3A_255, %add3A_254 : vector<8x16384xf32>
      %log3A = math.log %max3A_256 : vector<8x16384xf32>
      %neg3A = arith.constant 0.000000e+00 : f32
      %neg3A_257 = vector.broadcast %neg3A : f32 to vector<8x16384xf32>
      %neg3A_258 = arith.subf %neg3A_257, %log3A : vector<8x16384xf32>
      %log3A_259 = math.log %neg3A_258 : vector<8x16384xf32>
      %neg3A_260 = arith.constant 0.000000e+00 : f32
      %neg3A_261 = vector.broadcast %neg3A_260 : f32 to vector<8x16384xf32>
      %neg3A_262 = arith.subf %neg3A_261, %log3A_259 : vector<8x16384xf32>
      %get3A_263 = arith.constant 0 : index
      %get3A_264 = arith.constant 0 : index
      %get3A_265 = arith.constant 0 : index
      %get3A_266 = vector.load %arg2[%get3A_263, %get3A_264, %get3A_265] : memref<1x1x16384xf32, #tpu.memory_space<vmem>>, vector<1x1x16384xf32>
      %get3A_267 = vector.shape_cast %get3A_266 : vector<1x1x16384xf32> to vector<16384xf32>
      %broadcast_in_dim3A_268 = vector.shape_cast %get3A_267 : vector<16384xf32> to vector<1x16384xf32>
      %add3A_269 = vector.broadcast %broadcast_in_dim3A_268 : vector<1x16384xf32> to vector<8x16384xf32>
      %add3A_270 = arith.addf %neg3A_262, %add3A_269 : vector<8x16384xf32>
      %lt3A = arith.constant 1000000 : i32
      %lt3A_271 = vector.broadcast %lt3A : i32 to vector<8x16384xi32>
      %lt3A_272 = arith.cmpi slt, %add3A_20, %lt3A_271 : vector<8x16384xi32>
      %jit3A = arith.constant 0xFF800000 : f32
      %broadcast_in_dim3A_273 = vector.broadcast %jit3A : f32 to vector<8x16384xf32>
      %select_n3A = arith.select %lt3A_272, %add3A_270, %broadcast_in_dim3A_273 : vector<8x16384xi1>, vector<8x16384xf32>
      %reshape3A = vector.shape_cast %select_n3A : vector<8x16384xf32> to vector<8x128x128xf32>
      %reshape3A_274 = vector.shape_cast %add3A_20 : vector<8x16384xi32> to vector<8x128x128xi32>
      %reduce_max3A = arith.constant dense<0xFF800000> : vector<8x128xf32>
      %reduce_max3A_275 = vector.multi_reduction <maximumf>, %reshape3A, %reduce_max3A [1] : vector<8x128x128xf32> to vector<8x128xf32>
      %broadcast_in_dim3A_276 = vector.shape_cast %reduce_max3A_275 : vector<8x128xf32> to vector<8x1x128xf32>
      %eq3A_277 = vector.broadcast %broadcast_in_dim3A_276 : vector<8x1x128xf32> to vector<8x128x128xf32>
      %eq3A_278 = arith.cmpf oeq, %reshape3A, %eq3A_277 : vector<8x128x128xf32>
      %jit3A_279 = arith.constant 1073741824 : i32
      %broadcast_in_dim3A_280 = vector.broadcast %jit3A_279 : i32 to vector<8x128x128xi32>
      %select_n3A_281 = arith.select %eq3A_278, %reshape3A_274, %broadcast_in_dim3A_280 : vector<8x128x128xi1>, vector<8x128x128xi32>
      %reduce_min3A = arith.constant dense<2147483647> : vector<8x128xi32>
      %reduce_min3A_282 = vector.multi_reduction <minsi>, %select_n3A_281, %reduce_min3A [1] : vector<8x128x128xi32> to vector<8x128xi32>
      %get3A_283 = arith.constant 0 : index
      %get3A_284 = arith.constant 0 : index
      %get3A_285 = vector.load %arg6[%get3A_283, %get3A_284] : memref<8x128xf32, #tpu.memory_space<vmem>>, vector<8x128xf32>
      %gt3A = arith.cmpf ogt, %reduce_max3A_275, %get3A_285 : vector<8x128xf32>
      %get3A_286 = arith.constant 0 : index
      %get3A_287 = arith.constant 0 : index
      %get3A_288 = vector.load %arg7[%get3A_286, %get3A_287] : memref<8x128xi32, #tpu.memory_space<vmem>>, vector<8x128xi32>
      %select_n3A_289 = arith.select %gt3A, %reduce_min3A_282, %get3A_288 : vector<8x128xi1>, vector<8x128xi32>
      %swap3A = arith.constant 0 : index
      %swap3A_290 = arith.constant 0 : index
      %swap3A_291 = vector.load %arg7[%swap3A, %swap3A_290] : memref<8x128xi32, #tpu.memory_space<vmem>>, vector<8x128xi32>
      tpu.vector_store %arg7[%swap3A, %swap3A_290], %select_n3A_289 {strides = array<i32>} : memref<8x128xi32, #tpu.memory_space<vmem>>, vector<8x128xi32>,
      %get3A_292 = arith.constant 0 : index
      %get3A_293 = arith.constant 0 : index
      %get3A_294 = vector.load %arg6[%get3A_292, %get3A_293] : memref<8x128xf32, #tpu.memory_space<vmem>>, vector<8x128xf32>
      %select_n3A_295 = arith.select %gt3A, %reduce_max3A_275, %get3A_294 : vector<8x128xi1>, vector<8x128xf32>
      %swap3A_296 = arith.constant 0 : index
      %swap3A_297 = arith.constant 0 : index
      %swap3A_298 = vector.load %arg6[%swap3A_296, %swap3A_297] : memref<8x128xf32, #tpu.memory_space<vmem>>, vector<8x128xf32>
      tpu.vector_store %arg6[%swap3A_296, %swap3A_297], %select_n3A_295 {strides = array<i32>} : memref<8x128xf32, #tpu.memory_space<vmem>>, vector<8x128xf32>,
    } else {
    }
    %eq3A_7 = arith.constant 61 : i32
    %eq3A_8 = arith.cmpi eq, %arg1, %eq3A_7 : i32
    %convert_element_type3A_9 = arith.extui %eq3A_8 : i1 to i32
    %cond3A_10 = arith.constant 0 : i32
    %cond3A_11 = arith.cmpi ne, %convert_element_type3A_9, %cond3A_10 : i32
    scf.if %cond3A_11 {
      %get3A_12 = arith.constant 0 : index
      %get3A_13 = arith.constant 0 : index
      %get3A_14 = vector.load %arg6[%get3A_12, %get3A_13] : memref<8x128xf32, #tpu.memory_space<vmem>>, vector<8x128xf32>
      %get3A_15 = arith.constant 0 : index
      %get3A_16 = arith.constant 0 : index
      %get3A_17 = vector.load %arg7[%get3A_15, %get3A_16] : memref<8x128xi32, #tpu.memory_space<vmem>>, vector<8x128xi32>
      %reduce_max3A = arith.constant dense<0xFF800000> : vector<8xf32>
      %reduce_max3A_18 = vector.multi_reduction <maximumf>, %get3A_14, %reduce_max3A [1] : vector<8x128xf32> to vector<8xf32>
      %broadcast_in_dim3A = vector.shape_cast %reduce_max3A_18 : vector<8xf32> to vector<8x1xf32>
      %eq3A_19 = vector.broadcast %broadcast_in_dim3A : vector<8x1xf32> to vector<8x128xf32>
      %eq3A_20 = arith.cmpf oeq, %get3A_14, %eq3A_19 : vector<8x128xf32>
      %jit3A = arith.constant 1073741824 : i32
      %broadcast_in_dim3A_21 = vector.broadcast %jit3A : i32 to vector<8x128xi32>
      %select_n3A = arith.select %eq3A_20, %get3A_17, %broadcast_in_dim3A_21 : vector<8x128xi1>, vector<8x128xi32>
      %reduce_min3A = arith.constant dense<2147483647> : vector<8xi32>
      %reduce_min3A_22 = vector.multi_reduction <minsi>, %select_n3A, %reduce_min3A [1] : vector<8x128xi32> to vector<8xi32>
      %broadcast_in_dim3A_23 = vector.shape_cast %reduce_min3A_22 : vector<8xi32> to vector<8x1xi32>
      %reshape3A = vector.shape_cast %broadcast_in_dim3A_23 : vector<8x1xi32> to vector<1x1x8xi32>
      %swap3A = arith.constant 0 : index
      %swap3A_24 = arith.constant 0 : index
      %swap3A_25 = arith.constant 0 : index
      %swap3A_26 = vector.load %arg5[%swap3A, %swap3A_24, %swap3A_25] : memref<1x1x8xi32, #tpu.memory_space<vmem>>, vector<1x1x8xi32>
      tpu.vector_store %arg5[%swap3A, %swap3A_24, %swap3A_25], %reshape3A {strides = array<i32>} : memref<1x1x8xi32, #tpu.memory_space<vmem>>, vector<1x1x8xi32>,
    } else {
    }
    return
  }
  func.func @transform_0(%arg0: i32, %arg1: i32) -> (i32, i32, i32) {
    %c0_i32 = arith.constant 0 : i32
    %c0_i32_0 = arith.constant 0 : i32
    return %arg0, %c0_i32, %arg1 : i32, i32, i32
  }
  func.func @transform_1(%arg0: i32, %arg1: i32) -> (i32, i32) {
    %c0_i32 = arith.constant 0 : i32
    %c0_i32_0 = arith.constant 0 : i32
    %c0_i32_1 = arith.constant 0 : i32
    return %c0_i32, %c0_i32_0 : i32, i32
  }
  func.func @transform_2(%arg0: i32, %arg1: i32) -> i32 {
    %c0_i32 = arith.constant 0 : i32
    %c0_i32_0 = arith.constant 0 : i32
    return %c0_i32 : i32
  }
  func.func @transform_3(%arg0: i32, %arg1: i32) -> (i32, i32, i32) {
    %c0_i32 = arith.constant 0 : i32
    %c0_i32_0 = arith.constant 0 : i32
    %c0_i32_1 = arith.constant 0 : i32
    return %arg0, %c0_i32, %c0_i32_0 : i32, i32, i32
  }
}

module attributes {stable_mosaic.version = 14 : i64} {
  func.func @_count_body(%arg0: i32, %arg1: i32, %arg2: memref<1x1x32768xf32, #tpu.memory_space<vmem>>, %arg3: memref<1x1x8xf32, #tpu.memory_space<vmem>>, %arg4: memref<1x8x128xi32, #tpu.memory_space<vmem>>, %arg5: memref<1x1x1x8xi32, #tpu.memory_space<vmem>>, %arg6: memref<8x128xi32, #tpu.memory_space<vmem>>) attributes {dimension_semantics = [#tpu.dimension_semantics<arbitrary>, #tpu.dimension_semantics<arbitrary>], iteration_bounds = array<i64: 32, 31>, scalar_prefetch = 0 : i64, scratch_operands = 1 : i64, tpu.core_type = #tpu.core_type<tc>, window_params = [{transform_indices = @transform_0, window_bounds = array<i64: 1, 1, 32768>}, {transform_indices = @transform_1, window_bounds = array<i64: 1, 1, 8>}, {transform_indices = @transform_2, window_bounds = array<i64: 1, 8, 128>}, {transform_indices = @transform_3, window_bounds = array<i64: 1, 1, 1, 8>}]} {
    %eq3A = arith.constant 0 : i32
    %eq3A_0 = arith.cmpi eq, %arg1, %eq3A : i32
    %convert_element_type3A = arith.extui %eq3A_0 : i1 to i32
    %cond3A = arith.constant 0 : i32
    %cond3A_1 = arith.cmpi ne, %convert_element_type3A, %cond3A : i32
    scf.if %cond3A_1 {
      %broadcast_in_dim3A_55 = arith.constant 0 : i32
      %broadcast_in_dim3A_56 = vector.broadcast %broadcast_in_dim3A_55 : i32 to vector<8x128xi32>
      %swap3A_57 = arith.constant 0 : index
      %swap3A_58 = arith.constant 0 : index
      %swap3A_59 = vector.load %arg6[%swap3A_57, %swap3A_58] : memref<8x128xi32, #tpu.memory_space<vmem>>, vector<8x128xi32>
      tpu.vector_store %arg6[%swap3A_57, %swap3A_58], %broadcast_in_dim3A_56 {strides = array<i32>} : memref<8x128xi32, #tpu.memory_space<vmem>>, vector<8x128xi32>,
    } else {
    }
    %get3A = arith.constant 0 : index
    %get3A_2 = arith.constant 0 : index
    %get3A_3 = arith.constant 0 : index
    %get3A_4 = vector.load %arg2[%get3A, %get3A_2, %get3A_3] : memref<1x1x32768xf32, #tpu.memory_space<vmem>>, vector<1x1x32768xf32>
    %get3A_5 = vector.shape_cast %get3A_4 : vector<1x1x32768xf32> to vector<32768xf32>
    %mul3A = arith.constant 32768 : i32
    %mul3A_6 = arith.muli %arg1, %mul3A : i32
    %iota3A = tpu.iota {dimensions = array<i32: 1>} : vector<1x32768xi32>
    %add3A = vector.broadcast %mul3A_6 : i32 to vector<1x32768xi32>
    %add3A_7 = arith.addi %add3A, %iota3A : vector<1x32768xi32>
    %get3A_8 = arith.constant 0 : index
    %get3A_9 = arith.constant 0 : index
    %get3A_10 = arith.constant 0 : index
    %get3A_11 = vector.load %arg3[%get3A_8, %get3A_9, %get3A_10] : memref<1x1x8xf32, #tpu.memory_space<vmem>>, vector<1x1x8xf32>
    %get3A_12 = vector.shape_cast %get3A_11 : vector<1x1x8xf32> to vector<8xf32>
    %broadcast_in_dim3A = vector.shape_cast %get3A_5 : vector<32768xf32> to vector<1x32768xf32>
    %broadcast_in_dim3A_13 = vector.shape_cast %get3A_12 : vector<8xf32> to vector<8x1xf32>
    %gt3A = vector.broadcast %broadcast_in_dim3A : vector<1x32768xf32> to vector<8x32768xf32>
    %gt3A_14 = vector.broadcast %broadcast_in_dim3A_13 : vector<8x1xf32> to vector<8x32768xf32>
    %gt3A_15 = arith.cmpf ogt, %gt3A, %gt3A_14 : vector<8x32768xf32>
    %lt3A = arith.constant 1000000 : i32
    %lt3A_16 = vector.broadcast %lt3A : i32 to vector<1x32768xi32>
    %lt3A_17 = arith.cmpi slt, %add3A_7, %lt3A_16 : vector<1x32768xi32>
    %and3A = vector.broadcast %lt3A_17 : vector<1x32768xi1> to vector<8x32768xi1>
    %and3A_18 = arith.andi %gt3A_15, %and3A : vector<8x32768xi1>
    %convert_element_type3A_19 = arith.extui %and3A_18 : vector<8x32768xi1> to vector<8x32768xi32>
    %reshape3A = vector.shape_cast %convert_element_type3A_19 : vector<8x32768xi32> to vector<8x256x128xi32>
    %get3A_20 = arith.constant 0 : index
    %get3A_21 = arith.constant 0 : index
    %get3A_22 = vector.load %arg6[%get3A_20, %get3A_21] : memref<8x128xi32, #tpu.memory_space<vmem>>, vector<8x128xi32>
    %reduce_sum3A = arith.constant dense<0> : vector<8x128xi32>
    %reduce_sum3A_23 = vector.multi_reduction <add>, %reshape3A, %reduce_sum3A [1] : vector<8x256x128xi32> to vector<8x128xi32>
    %add3A_24 = arith.addi %get3A_22, %reduce_sum3A_23 : vector<8x128xi32>
    %swap3A = arith.constant 0 : index
    %swap3A_25 = arith.constant 0 : index
    %swap3A_26 = vector.load %arg6[%swap3A, %swap3A_25] : memref<8x128xi32, #tpu.memory_space<vmem>>, vector<8x128xi32>
    tpu.vector_store %arg6[%swap3A, %swap3A_25], %add3A_24 {strides = array<i32>} : memref<8x128xi32, #tpu.memory_space<vmem>>, vector<8x128xi32>,
    %broadcast_in_dim3A_27 = vector.shape_cast %get3A_5 : vector<32768xf32> to vector<1x32768xf32>
    %broadcast_in_dim3A_28 = vector.shape_cast %get3A_12 : vector<8xf32> to vector<8x1xf32>
    %eq3A_29 = vector.broadcast %broadcast_in_dim3A_27 : vector<1x32768xf32> to vector<8x32768xf32>
    %eq3A_30 = vector.broadcast %broadcast_in_dim3A_28 : vector<8x1xf32> to vector<8x32768xf32>
    %eq3A_31 = arith.cmpf oeq, %eq3A_29, %eq3A_30 : vector<8x32768xf32>
    %lt3A_32 = arith.constant 1000000 : i32
    %lt3A_33 = vector.broadcast %lt3A_32 : i32 to vector<1x32768xi32>
    %lt3A_34 = arith.cmpi slt, %add3A_7, %lt3A_33 : vector<1x32768xi32>
    %and3A_35 = vector.broadcast %lt3A_34 : vector<1x32768xi1> to vector<8x32768xi1>
    %and3A_36 = arith.andi %eq3A_31, %and3A_35 : vector<8x32768xi1>
    %convert_element_type3A_37 = arith.extui %and3A_36 : vector<8x32768xi1> to vector<8x32768xi32>
    %reshape3A_38 = vector.shape_cast %convert_element_type3A_37 : vector<8x32768xi32> to vector<8x256x128xi32>
    %reduce_sum3A_39 = arith.constant dense<0> : vector<8x128xi32>
    %reduce_sum3A_40 = vector.multi_reduction <add>, %reshape3A_38, %reduce_sum3A_39 [1] : vector<8x256x128xi32> to vector<8x128xi32>
    %reduce_sum3A_41 = arith.constant dense<0> : vector<8xi32>
    %reduce_sum3A_42 = vector.multi_reduction <add>, %reduce_sum3A_40, %reduce_sum3A_41 [1] : vector<8x128xi32> to vector<8xi32>
    %broadcast_in_dim3A_43 = vector.shape_cast %reduce_sum3A_42 : vector<8xi32> to vector<8x1xi32>
    %reshape3A_44 = vector.shape_cast %broadcast_in_dim3A_43 : vector<8x1xi32> to vector<1x1x1x8xi32>
    %swap3A_45 = arith.constant 0 : index
    %swap3A_46 = arith.constant 0 : index
    %swap3A_47 = arith.constant 0 : index
    %swap3A_48 = arith.constant 0 : index
    %swap3A_49 = vector.load %arg5[%swap3A_45, %swap3A_46, %swap3A_47, %swap3A_48] : memref<1x1x1x8xi32, #tpu.memory_space<vmem>>, vector<1x1x1x8xi32>
    tpu.vector_store %arg5[%swap3A_45, %swap3A_46, %swap3A_47, %swap3A_48], %reshape3A_44 {strides = array<i32>} : memref<1x1x1x8xi32, #tpu.memory_space<vmem>>, vector<1x1x1x8xi32>,
    %eq3A_50 = arith.constant 30 : i32
    %eq3A_51 = arith.cmpi eq, %arg1, %eq3A_50 : i32
    %convert_element_type3A_52 = arith.extui %eq3A_51 : i1 to i32
    %cond3A_53 = arith.constant 0 : i32
    %cond3A_54 = arith.cmpi ne, %convert_element_type3A_52, %cond3A_53 : i32
    scf.if %cond3A_54 {
      %get3A_55 = arith.constant 0 : index
      %get3A_56 = arith.constant 0 : index
      %get3A_57 = vector.load %arg6[%get3A_55, %get3A_56] : memref<8x128xi32, #tpu.memory_space<vmem>>, vector<8x128xi32>
      %reshape3A_58 = vector.shape_cast %get3A_57 : vector<8x128xi32> to vector<1x8x128xi32>
      %swap3A_59 = arith.constant 0 : index
      %swap3A_60 = arith.constant 0 : index
      %swap3A_61 = arith.constant 0 : index
      %swap3A_62 = vector.load %arg4[%swap3A_59, %swap3A_60, %swap3A_61] : memref<1x8x128xi32, #tpu.memory_space<vmem>>, vector<1x8x128xi32>
      tpu.vector_store %arg4[%swap3A_59, %swap3A_60, %swap3A_61], %reshape3A_58 {strides = array<i32>} : memref<1x8x128xi32, #tpu.memory_space<vmem>>, vector<1x8x128xi32>,
    } else {
    }
    return
  }
  func.func @transform_0(%arg0: i32, %arg1: i32) -> (i32, i32, i32) {
    %c0_i32 = arith.constant 0 : i32
    %c0_i32_0 = arith.constant 0 : i32
    return %arg0, %c0_i32, %arg1 : i32, i32, i32
  }
  func.func @transform_1(%arg0: i32, %arg1: i32) -> (i32, i32, i32) {
    %c0_i32 = arith.constant 0 : i32
    %c0_i32_0 = arith.constant 0 : i32
    %c0_i32_1 = arith.constant 0 : i32
    return %arg0, %c0_i32, %c0_i32_0 : i32, i32, i32
  }
  func.func @transform_2(%arg0: i32, %arg1: i32) -> (i32, i32, i32) {
    %c0_i32 = arith.constant 0 : i32
    %c0_i32_0 = arith.constant 0 : i32
    %c0_i32_1 = arith.constant 0 : i32
    return %arg0, %c0_i32, %c0_i32_0 : i32, i32, i32
  }
  func.func @transform_3(%arg0: i32, %arg1: i32) -> (i32, i32, i32, i32) {
    %c0_i32 = arith.constant 0 : i32
    %c0_i32_0 = arith.constant 0 : i32
    %c0_i32_1 = arith.constant 0 : i32
    return %arg0, %arg1, %c0_i32, %c0_i32_0 : i32, i32, i32, i32
  }
}

module attributes {stable_mosaic.version = 14 : i64} {
  func.func @_select_body(%arg0: i32, %arg1: i32, %arg2: memref<32x8xi32, #tpu.memory_space<smem>>, %arg3: memref<1x1x32768xf32, #tpu.memory_space<vmem>>, %arg4: memref<32x8xf32, #tpu.memory_space<smem>>, %arg5: memref<32x8xi32, #tpu.memory_space<smem>>, %arg6: memref<32x8xi32, #tpu.memory_space<smem>>) attributes {dimension_semantics = [#tpu.dimension_semantics<arbitrary>, #tpu.dimension_semantics<arbitrary>], iteration_bounds = array<i64: 32, 8>, scalar_prefetch = 1 : i64, scratch_operands = 0 : i64, tpu.core_type = #tpu.core_type<tc>, window_params = [{transform_indices = @transform_0, window_bounds = array<i64: 1, 1, 32768>}, {transform_indices = @transform_1, window_bounds = array<i64: 32, 8>}, {transform_indices = @transform_2, window_bounds = array<i64: 32, 8>}, {transform_indices = @transform_3, window_bounds = array<i64: 32, 8>}]} {
    %get3A = arith.index_cast %arg0 : i32 to index
    %get3A_0 = arith.index_cast %arg1 : i32 to index
    %get3A_1 = memref.load %arg2[%get3A, %get3A_0] : memref<32x8xi32, #tpu.memory_space<smem>>
    %get3A_2 = arith.index_cast %arg0 : i32 to index
    %get3A_3 = arith.index_cast %arg1 : i32 to index
    %get3A_4 = memref.load %arg5[%get3A_2, %get3A_3] : memref<32x8xi32, #tpu.memory_space<smem>>
    %get3A_5 = arith.index_cast %arg0 : i32 to index
    %get3A_6 = arith.index_cast %arg1 : i32 to index
    %get3A_7 = memref.load %arg4[%get3A_5, %get3A_6] : memref<32x8xf32, #tpu.memory_space<smem>>
    %get3A_8 = arith.constant 0 : index
    %get3A_9 = arith.constant 0 : index
    %get3A_10 = arith.constant 0 : index
    %get3A_11 = vector.load %arg3[%get3A_8, %get3A_9, %get3A_10] : memref<1x1x32768xf32, #tpu.memory_space<vmem>>, vector<1x1x32768xf32>
    %get3A_12 = vector.shape_cast %get3A_11 : vector<1x1x32768xf32> to vector<32768xf32>
    %mul3A = arith.constant 32768 : i32
    %mul3A_13 = arith.muli %get3A_1, %mul3A : i32
    %iota3A = tpu.iota {dimensions = array<i32: 1>} : vector<1x32768xi32>
    %add3A = vector.broadcast %mul3A_13 : i32 to vector<1x32768xi32>
    %add3A_14 = arith.addi %add3A, %iota3A : vector<1x32768xi32>
    %broadcast_in_dim3A = vector.shape_cast %get3A_12 : vector<32768xf32> to vector<1x32768xf32>
    %eq3A = vector.broadcast %get3A_7 : f32 to vector<1x32768xf32>
    %eq3A_15 = arith.cmpf oeq, %broadcast_in_dim3A, %eq3A : vector<1x32768xf32>
    %lt3A = arith.constant 1000000 : i32
    %lt3A_16 = vector.broadcast %lt3A : i32 to vector<1x32768xi32>
    %lt3A_17 = arith.cmpi slt, %add3A_14, %lt3A_16 : vector<1x32768xi32>
    %and3A = arith.andi %eq3A_15, %lt3A_17 : vector<1x32768xi1>
    %convert_element_type3A = arith.extui %and3A : vector<1x32768xi1> to vector<1x32768xi32>
    %iota3A_18 = tpu.iota {dimensions = array<i32: 1>} : vector<1x32768xi32>
    %roll3A = arith.constant 1 : i32
    %roll3A_19 = tpu.dynamic_rotate %convert_element_type3A by %roll3A dim 1 : vector<1x32768xi32>, i32 -> vector<1x32768xi32>
    %ge3A = arith.constant 1 : i32
    %ge3A_20 = vector.broadcast %ge3A : i32 to vector<1x32768xi32>
    %ge3A_21 = arith.cmpi sge, %iota3A_18, %ge3A_20 : vector<1x32768xi32>
    %jit3A = arith.constant 0 : i32
    %broadcast_in_dim3A_22 = vector.broadcast %jit3A : i32 to vector<1x32768xi32>
    %select_n3A = arith.select %ge3A_21, %roll3A_19, %broadcast_in_dim3A_22 : vector<1x32768xi1>, vector<1x32768xi32>
    %add3A_23 = arith.addi %convert_element_type3A, %select_n3A : vector<1x32768xi32>
    %roll3A_24 = arith.constant 2 : i32
    %roll3A_25 = tpu.dynamic_rotate %add3A_23 by %roll3A_24 dim 1 : vector<1x32768xi32>, i32 -> vector<1x32768xi32>
    %ge3A_26 = arith.constant 2 : i32
    %ge3A_27 = vector.broadcast %ge3A_26 : i32 to vector<1x32768xi32>
    %ge3A_28 = arith.cmpi sge, %iota3A_18, %ge3A_27 : vector<1x32768xi32>
    %jit3A_29 = arith.constant 0 : i32
    %broadcast_in_dim3A_30 = vector.broadcast %jit3A_29 : i32 to vector<1x32768xi32>
    %select_n3A_31 = arith.select %ge3A_28, %roll3A_25, %broadcast_in_dim3A_30 : vector<1x32768xi1>, vector<1x32768xi32>
    %add3A_32 = arith.addi %add3A_23, %select_n3A_31 : vector<1x32768xi32>
    %roll3A_33 = arith.constant 4 : i32
    %roll3A_34 = tpu.dynamic_rotate %add3A_32 by %roll3A_33 dim 1 : vector<1x32768xi32>, i32 -> vector<1x32768xi32>
    %ge3A_35 = arith.constant 4 : i32
    %ge3A_36 = vector.broadcast %ge3A_35 : i32 to vector<1x32768xi32>
    %ge3A_37 = arith.cmpi sge, %iota3A_18, %ge3A_36 : vector<1x32768xi32>
    %jit3A_38 = arith.constant 0 : i32
    %broadcast_in_dim3A_39 = vector.broadcast %jit3A_38 : i32 to vector<1x32768xi32>
    %select_n3A_40 = arith.select %ge3A_37, %roll3A_34, %broadcast_in_dim3A_39 : vector<1x32768xi1>, vector<1x32768xi32>
    %add3A_41 = arith.addi %add3A_32, %select_n3A_40 : vector<1x32768xi32>
    %roll3A_42 = arith.constant 8 : i32
    %roll3A_43 = tpu.dynamic_rotate %add3A_41 by %roll3A_42 dim 1 : vector<1x32768xi32>, i32 -> vector<1x32768xi32>
    %ge3A_44 = arith.constant 8 : i32
    %ge3A_45 = vector.broadcast %ge3A_44 : i32 to vector<1x32768xi32>
    %ge3A_46 = arith.cmpi sge, %iota3A_18, %ge3A_45 : vector<1x32768xi32>
    %jit3A_47 = arith.constant 0 : i32
    %broadcast_in_dim3A_48 = vector.broadcast %jit3A_47 : i32 to vector<1x32768xi32>
    %select_n3A_49 = arith.select %ge3A_46, %roll3A_43, %broadcast_in_dim3A_48 : vector<1x32768xi1>, vector<1x32768xi32>
    %add3A_50 = arith.addi %add3A_41, %select_n3A_49 : vector<1x32768xi32>
    %roll3A_51 = arith.constant 16 : i32
    %roll3A_52 = tpu.dynamic_rotate %add3A_50 by %roll3A_51 dim 1 : vector<1x32768xi32>, i32 -> vector<1x32768xi32>
    %ge3A_53 = arith.constant 16 : i32
    %ge3A_54 = vector.broadcast %ge3A_53 : i32 to vector<1x32768xi32>
    %ge3A_55 = arith.cmpi sge, %iota3A_18, %ge3A_54 : vector<1x32768xi32>
    %jit3A_56 = arith.constant 0 : i32
    %broadcast_in_dim3A_57 = vector.broadcast %jit3A_56 : i32 to vector<1x32768xi32>
    %select_n3A_58 = arith.select %ge3A_55, %roll3A_52, %broadcast_in_dim3A_57 : vector<1x32768xi1>, vector<1x32768xi32>
    %add3A_59 = arith.addi %add3A_50, %select_n3A_58 : vector<1x32768xi32>
    %roll3A_60 = arith.constant 32 : i32
    %roll3A_61 = tpu.dynamic_rotate %add3A_59 by %roll3A_60 dim 1 : vector<1x32768xi32>, i32 -> vector<1x32768xi32>
    %ge3A_62 = arith.constant 32 : i32
    %ge3A_63 = vector.broadcast %ge3A_62 : i32 to vector<1x32768xi32>
    %ge3A_64 = arith.cmpi sge, %iota3A_18, %ge3A_63 : vector<1x32768xi32>
    %jit3A_65 = arith.constant 0 : i32
    %broadcast_in_dim3A_66 = vector.broadcast %jit3A_65 : i32 to vector<1x32768xi32>
    %select_n3A_67 = arith.select %ge3A_64, %roll3A_61, %broadcast_in_dim3A_66 : vector<1x32768xi1>, vector<1x32768xi32>
    %add3A_68 = arith.addi %add3A_59, %select_n3A_67 : vector<1x32768xi32>
    %roll3A_69 = arith.constant 64 : i32
    %roll3A_70 = tpu.dynamic_rotate %add3A_68 by %roll3A_69 dim 1 : vector<1x32768xi32>, i32 -> vector<1x32768xi32>
    %ge3A_71 = arith.constant 64 : i32
    %ge3A_72 = vector.broadcast %ge3A_71 : i32 to vector<1x32768xi32>
    %ge3A_73 = arith.cmpi sge, %iota3A_18, %ge3A_72 : vector<1x32768xi32>
    %jit3A_74 = arith.constant 0 : i32
    %broadcast_in_dim3A_75 = vector.broadcast %jit3A_74 : i32 to vector<1x32768xi32>
    %select_n3A_76 = arith.select %ge3A_73, %roll3A_70, %broadcast_in_dim3A_75 : vector<1x32768xi1>, vector<1x32768xi32>
    %add3A_77 = arith.addi %add3A_68, %select_n3A_76 : vector<1x32768xi32>
    %roll3A_78 = arith.constant 128 : i32
    %roll3A_79 = tpu.dynamic_rotate %add3A_77 by %roll3A_78 dim 1 : vector<1x32768xi32>, i32 -> vector<1x32768xi32>
    %ge3A_80 = arith.constant 128 : i32
    %ge3A_81 = vector.broadcast %ge3A_80 : i32 to vector<1x32768xi32>
    %ge3A_82 = arith.cmpi sge, %iota3A_18, %ge3A_81 : vector<1x32768xi32>
    %jit3A_83 = arith.constant 0 : i32
    %broadcast_in_dim3A_84 = vector.broadcast %jit3A_83 : i32 to vector<1x32768xi32>
    %select_n3A_85 = arith.select %ge3A_82, %roll3A_79, %broadcast_in_dim3A_84 : vector<1x32768xi1>, vector<1x32768xi32>
    %add3A_86 = arith.addi %add3A_77, %select_n3A_85 : vector<1x32768xi32>
    %roll3A_87 = arith.constant 256 : i32
    %roll3A_88 = tpu.dynamic_rotate %add3A_86 by %roll3A_87 dim 1 : vector<1x32768xi32>, i32 -> vector<1x32768xi32>
    %ge3A_89 = arith.constant 256 : i32
    %ge3A_90 = vector.broadcast %ge3A_89 : i32 to vector<1x32768xi32>
    %ge3A_91 = arith.cmpi sge, %iota3A_18, %ge3A_90 : vector<1x32768xi32>
    %jit3A_92 = arith.constant 0 : i32
    %broadcast_in_dim3A_93 = vector.broadcast %jit3A_92 : i32 to vector<1x32768xi32>
    %select_n3A_94 = arith.select %ge3A_91, %roll3A_88, %broadcast_in_dim3A_93 : vector<1x32768xi1>, vector<1x32768xi32>
    %add3A_95 = arith.addi %add3A_86, %select_n3A_94 : vector<1x32768xi32>
    %roll3A_96 = arith.constant 512 : i32
    %roll3A_97 = tpu.dynamic_rotate %add3A_95 by %roll3A_96 dim 1 : vector<1x32768xi32>, i32 -> vector<1x32768xi32>
    %ge3A_98 = arith.constant 512 : i32
    %ge3A_99 = vector.broadcast %ge3A_98 : i32 to vector<1x32768xi32>
    %ge3A_100 = arith.cmpi sge, %iota3A_18, %ge3A_99 : vector<1x32768xi32>
    %jit3A_101 = arith.constant 0 : i32
    %broadcast_in_dim3A_102 = vector.broadcast %jit3A_101 : i32 to vector<1x32768xi32>
    %select_n3A_103 = arith.select %ge3A_100, %roll3A_97, %broadcast_in_dim3A_102 : vector<1x32768xi1>, vector<1x32768xi32>
    %add3A_104 = arith.addi %add3A_95, %select_n3A_103 : vector<1x32768xi32>
    %roll3A_105 = arith.constant 1024 : i32
    %roll3A_106 = tpu.dynamic_rotate %add3A_104 by %roll3A_105 dim 1 : vector<1x32768xi32>, i32 -> vector<1x32768xi32>
    %ge3A_107 = arith.constant 1024 : i32
    %ge3A_108 = vector.broadcast %ge3A_107 : i32 to vector<1x32768xi32>
    %ge3A_109 = arith.cmpi sge, %iota3A_18, %ge3A_108 : vector<1x32768xi32>
    %jit3A_110 = arith.constant 0 : i32
    %broadcast_in_dim3A_111 = vector.broadcast %jit3A_110 : i32 to vector<1x32768xi32>
    %select_n3A_112 = arith.select %ge3A_109, %roll3A_106, %broadcast_in_dim3A_111 : vector<1x32768xi1>, vector<1x32768xi32>
    %add3A_113 = arith.addi %add3A_104, %select_n3A_112 : vector<1x32768xi32>
    %roll3A_114 = arith.constant 2048 : i32
    %roll3A_115 = tpu.dynamic_rotate %add3A_113 by %roll3A_114 dim 1 : vector<1x32768xi32>, i32 -> vector<1x32768xi32>
    %ge3A_116 = arith.constant 2048 : i32
    %ge3A_117 = vector.broadcast %ge3A_116 : i32 to vector<1x32768xi32>
    %ge3A_118 = arith.cmpi sge, %iota3A_18, %ge3A_117 : vector<1x32768xi32>
    %jit3A_119 = arith.constant 0 : i32
    %broadcast_in_dim3A_120 = vector.broadcast %jit3A_119 : i32 to vector<1x32768xi32>
    %select_n3A_121 = arith.select %ge3A_118, %roll3A_115, %broadcast_in_dim3A_120 : vector<1x32768xi1>, vector<1x32768xi32>
    %add3A_122 = arith.addi %add3A_113, %select_n3A_121 : vector<1x32768xi32>
    %roll3A_123 = arith.constant 4096 : i32
    %roll3A_124 = tpu.dynamic_rotate %add3A_122 by %roll3A_123 dim 1 : vector<1x32768xi32>, i32 -> vector<1x32768xi32>
    %ge3A_125 = arith.constant 4096 : i32
    %ge3A_126 = vector.broadcast %ge3A_125 : i32 to vector<1x32768xi32>
    %ge3A_127 = arith.cmpi sge, %iota3A_18, %ge3A_126 : vector<1x32768xi32>
    %jit3A_128 = arith.constant 0 : i32
    %broadcast_in_dim3A_129 = vector.broadcast %jit3A_128 : i32 to vector<1x32768xi32>
    %select_n3A_130 = arith.select %ge3A_127, %roll3A_124, %broadcast_in_dim3A_129 : vector<1x32768xi1>, vector<1x32768xi32>
    %add3A_131 = arith.addi %add3A_122, %select_n3A_130 : vector<1x32768xi32>
    %roll3A_132 = arith.constant 8192 : i32
    %roll3A_133 = tpu.dynamic_rotate %add3A_131 by %roll3A_132 dim 1 : vector<1x32768xi32>, i32 -> vector<1x32768xi32>
    %ge3A_134 = arith.constant 8192 : i32
    %ge3A_135 = vector.broadcast %ge3A_134 : i32 to vector<1x32768xi32>
    %ge3A_136 = arith.cmpi sge, %iota3A_18, %ge3A_135 : vector<1x32768xi32>
    %jit3A_137 = arith.constant 0 : i32
    %broadcast_in_dim3A_138 = vector.broadcast %jit3A_137 : i32 to vector<1x32768xi32>
    %select_n3A_139 = arith.select %ge3A_136, %roll3A_133, %broadcast_in_dim3A_138 : vector<1x32768xi1>, vector<1x32768xi32>
    %add3A_140 = arith.addi %add3A_131, %select_n3A_139 : vector<1x32768xi32>
    %roll3A_141 = arith.constant 16384 : i32
    %roll3A_142 = tpu.dynamic_rotate %add3A_140 by %roll3A_141 dim 1 : vector<1x32768xi32>, i32 -> vector<1x32768xi32>
    %ge3A_143 = arith.constant 16384 : i32
    %ge3A_144 = vector.broadcast %ge3A_143 : i32 to vector<1x32768xi32>
    %ge3A_145 = arith.cmpi sge, %iota3A_18, %ge3A_144 : vector<1x32768xi32>
    %jit3A_146 = arith.constant 0 : i32
    %broadcast_in_dim3A_147 = vector.broadcast %jit3A_146 : i32 to vector<1x32768xi32>
    %select_n3A_148 = arith.select %ge3A_145, %roll3A_142, %broadcast_in_dim3A_147 : vector<1x32768xi1>, vector<1x32768xi32>
    %add3A_149 = arith.addi %add3A_140, %select_n3A_148 : vector<1x32768xi32>
    %add3A_150 = arith.constant 1 : i32
    %add3A_151 = arith.addi %get3A_4, %add3A_150 : i32
    %eq3A_152 = vector.broadcast %add3A_151 : i32 to vector<1x32768xi32>
    %eq3A_153 = arith.cmpi eq, %add3A_149, %eq3A_152 : vector<1x32768xi32>
    %and3A_154 = arith.andi %and3A, %eq3A_153 : vector<1x32768xi1>
    %jit3A_155 = arith.constant 1073741824 : i32
    %broadcast_in_dim3A_156 = vector.broadcast %jit3A_155 : i32 to vector<1x32768xi32>
    %select_n3A_157 = arith.select %and3A_154, %add3A_14, %broadcast_in_dim3A_156 : vector<1x32768xi1>, vector<1x32768xi32>
    %reduce_min3A = vector.shape_cast %select_n3A_157 : vector<1x32768xi32> to vector<1x1x32768xi32>
    %reduce_min3A_158 = arith.constant dense<2147483647> : vector<1xi32>
    %reduce_min3A_159 = vector.multi_reduction <minsi>, %reduce_min3A, %reduce_min3A_158 [1, 2] : vector<1x1x32768xi32> to vector<1xi32>
    %reduce_min3A_160 = vector.shape_cast %reduce_min3A_159 : vector<1xi32> to vector<1x1x1xi32>
    %reduce_min3A_161 = vector.extract %reduce_min3A_160[0, 0, 0] : i32 from vector<1x1x1xi32>
    %swap3A = arith.index_cast %arg0 : i32 to index
    %swap3A_162 = arith.index_cast %arg1 : i32 to index
    %swap3A_163 = memref.load %arg6[%swap3A, %swap3A_162] : memref<32x8xi32, #tpu.memory_space<smem>>
    memref.store %reduce_min3A_161, %arg6[%swap3A, %swap3A_162] : memref<32x8xi32, #tpu.memory_space<smem>>
    return
  }
  func.func @transform_0(%arg0: i32, %arg1: i32, %arg2: memref<32x8xi32, #tpu.memory_space<smem>>) -> (i32, i32, i32) {
    %get3A = arith.index_cast %arg0 : i32 to index
    %get3A_0 = arith.index_cast %arg1 : i32 to index
    %get3A_1 = memref.load %arg2[%get3A, %get3A_0] : memref<32x8xi32, #tpu.memory_space<smem>>
    %c0_i32 = arith.constant 0 : i32
    %c0_i32_2 = arith.constant 0 : i32
    return %arg0, %c0_i32, %get3A_1 : i32, i32, i32
  }
  func.func @transform_1(%arg0: i32, %arg1: i32, %arg2: memref<32x8xi32, #tpu.memory_space<smem>>) -> (i32, i32) {
    %c0_i32 = arith.constant 0 : i32
    %c0_i32_0 = arith.constant 0 : i32
    %c0_i32_1 = arith.constant 0 : i32
    return %c0_i32, %c0_i32_0 : i32, i32
  }
  func.func @transform_2(%arg0: i32, %arg1: i32, %arg2: memref<32x8xi32, #tpu.memory_space<smem>>) -> (i32, i32) {
    %c0_i32 = arith.constant 0 : i32
    %c0_i32_0 = arith.constant 0 : i32
    %c0_i32_1 = arith.constant 0 : i32
    return %c0_i32, %c0_i32_0 : i32, i32
  }
  func.func @transform_3(%arg0: i32, %arg1: i32, %arg2: memref<32x8xi32, #tpu.memory_space<smem>>) -> (i32, i32) {
    %c0_i32 = arith.constant 0 : i32
    %c0_i32_0 = arith.constant 0 : i32
    %c0_i32_1 = arith.constant 0 : i32
    return %c0_i32, %c0_i32_0 : i32, i32
  }
}

module attributes {stable_mosaic.version = 14 : i64} {
  func.func @_fill_body(%arg0: i32, %arg1: memref<32x1xi32, #tpu.memory_space<vmem>>, %arg2: memref<32x32768xf32, #tpu.memory_space<vmem>>) attributes {dimension_semantics = [#tpu.dimension_semantics<arbitrary>], iteration_bounds = array<i64: 31>, scalar_prefetch = 0 : i64, scratch_operands = 0 : i64, tpu.core_type = #tpu.core_type<tc>, window_params = [{pipeline_mode = #tpu.pipeline_mode<synchronous>, transform_indices = @transform_0, window_bounds = array<i64: 32, 1>}, {transform_indices = @transform_1, window_bounds = array<i64: 32, 32768>}]} {
    %mul3A = arith.constant 32768 : i32
    %mul3A_0 = arith.muli %arg0, %mul3A : i32
    %iota3A = tpu.iota {dimensions = array<i32: 1>} : vector<32x32768xi32>
    %add3A = vector.broadcast %mul3A_0 : i32 to vector<32x32768xi32>
    %add3A_1 = arith.addi %add3A, %iota3A : vector<32x32768xi32>
    %get3A = arith.constant 0 : index
    %get3A_2 = arith.constant 0 : index
    %get3A_3 = vector.load %arg1[%get3A, %get3A_2] : memref<32x1xi32, #tpu.memory_space<vmem>>, vector<32x1xi32>
    %eq3A = vector.broadcast %get3A_3 : vector<32x1xi32> to vector<32x32768xi32>
    %eq3A_4 = arith.cmpi eq, %add3A_1, %eq3A : vector<32x32768xi32>
    %jit3A = arith.constant 1.000000e+05 : f32
    %jit3A_5 = arith.constant 9.99999974E-6 : f32
    %broadcast_in_dim3A = vector.broadcast %jit3A : f32 to vector<32x32768xf32>
    %broadcast_in_dim3A_6 = vector.broadcast %jit3A_5 : f32 to vector<32x32768xf32>
    %select_n3A = arith.select %eq3A_4, %broadcast_in_dim3A, %broadcast_in_dim3A_6 : vector<32x32768xi1>, vector<32x32768xf32>
    %swap3A = arith.constant 0 : index
    %swap3A_7 = arith.constant 0 : index
    %swap3A_8 = vector.load %arg2[%swap3A, %swap3A_7] : memref<32x32768xf32, #tpu.memory_space<vmem>>, vector<32x32768xf32>
    tpu.vector_store %arg2[%swap3A, %swap3A_7], %select_n3A {strides = array<i32>} : memref<32x32768xf32, #tpu.memory_space<vmem>>, vector<32x32768xf32>,
    return
  }
  func.func @transform_0(%arg0: i32) -> (i32, i32) {
    %c0_i32 = arith.constant 0 : i32
    %c0_i32_0 = arith.constant 0 : i32
    %c0_i32_1 = arith.constant 0 : i32
    return %c0_i32, %c0_i32_0 : i32, i32
  }
  func.func @transform_1(%arg0: i32) -> (i32, i32) {
    %c0_i32 = arith.constant 0 : i32
    %c0_i32_0 = arith.constant 0 : i32
    return %c0_i32, %arg0 : i32, i32
  }
}

</mosaic_0001>

<sc_bundles>
// kernel: sparse-core-data-format-call.1.cloned.1.call-start
scs
called_computation.1_lowered:
.L_overlay_start_0:
0x0: {  	s1 =	sld [smem:$0x3FD9]  }
0x1: {  	s2 =	sld [smem:$0x3FFE];
	_ =	sdelay $0x1  }
0x2: {  	s3 =	srdreg.scid  }
0x3: {  	s0 =	sand.u32 $0x1, s3  }
0x4: {  	s17 =	sshll.u32 s0, $0xA;
	s1 =	sadd.s32 s2, s1  }
0x5: {  	s1 =	sadd.s32 s1, s17  }
0x6: {  	[smem:$0x3FC6] =	sst s1  }
0x7: {  	_ = 	snop  }
0x8: {  	(tm) =	ssettm $0x1  }
0x9: {  	s18 =	sld [smem:$0x3FFB];
	_ =	sdelay $0x3  }
0xa: {  	_ =	strace s18  }
0xb: {  	s1 =	sld [smem:$0x3FFC];
	_ =	sdelay $0x3  }
0xc: {  	_ =	strace s1  }
0xd: {  	s1 =	sld [smem:$0x3FFD];
	_ =	sdelay $0x3  }
0xe: {  	_ =	strace s1  }
0xf: {  	_ =	strace $0x8FFFFFFF  }
0x10: {  	s19 =	sld [smem:$0x3FDB];
	_ =	sdelay $0x1  }
0x11: {  	s20 =	simm.s32 $_scs_section_size  }
0x12: {  	s4 =	simm.s32 $_size__tile_overlayer_lowered;
	s5 =	simm.s32 $_tile_overlayer_lowered  }
0x13: {  	s23 =	simm.s32 $0x1BFF;
	s22 =	sshll.u32 s5, $0x1;
	s1 =	sadd.s32 s20, s19  }
0x14: {  	s6 =	simm.s32 $0x0;
	s21 =	sshll.u32 s4, $0x1;
	s4 =	sadd.s32 s22, s1  }
0x15: {  	[timem:s6], [sflag:s23] =	dma.local [hbm:s4], s21  }
0x16: {  	_ =	swait.ge [sflag:s23], s21  }
0x17: {  	s2 =	ssub.s32 $0x0, s21;
	[sflag:s23] =	ssyncset.done $0x0  }
0x18: {  	[sflag:s23] =	ssyncadd.s32 s2;
	_ =	sdelay $0x1  }
0x19: {  	s24 =	simm.s32 $0x1B8B  }
0x1a: {  	_ =	swait.ge [sflag:s24], $0x1  }
0x1b: {  	[sflag:s24] =	ssyncset.done $0x0  }
0x1c: {  	s26 =	simm.s32 $0x1B8E;
	s25 =	sld [smem:$0x3FFE];
	[sflag:s24] =	ssyncadd.s32 $0xFFFFFFFF  }
0x1d: {  	s27 =	simm.s32 $execute0_lowered;
	[smem:$0x3FD2] =	sst s26  }
0x1e: {  	s4 =	sshll.u32 s27, $0x1;
	_ =	strace $0x80000049;
	[dreg:$0x1] =	wrdreg $0xFFFFFFFF  }
0x1f: {  	s28 =	simm.s32 $_size_execute0_lowered;
	s1 =	sadd.s32 s1, s4;
	[dreg:$0x0] =	wrdreg $0x0  }
0x20: {  	s4 =	sshll.u32 s28, $0x1;
	[dreg:$0x2] =	wrdreg s1  }
0x21: {  	[dreg:$0x3] =	wrdreg s4  }
0x22: {  	[dreg:$0x4] =	wrdreg $0xC0  }
0x23: {  	_ =	task [dreg:s6], $0x5FFFF  }
0x24: {  	[dreg:$0x1] =	wrdreg $0xFFFFFFFF  }
0x25: {  	[dreg:$0x0] =	wrdreg $0x60  }
0x26: {  	[dreg:$0x2] =	wrdreg s25  }
0x27: {  	[dreg:$0x3] =	wrdreg $0x9  }
0x28: {  	_ =	task.clear_ibuf [dreg:s6], $0x4FFFF;
	_ =	strace $0x90000049  }
0x29: {  	s29 =	simm.s32 $0x9;
	_ =	strace $0x8000004B  }
0x2a: {  	_ =	swait.ge [sflag:s29], $0x1  }
0x2b: {  	[sflag:s29] =	ssyncadd.s32 $0xFFFFFFFF  }
0x2c: {  	_ =	strace $0x9000004B  }
0x2d: {  	_ =	sfence  }
0x2e: {  	s30 =	sld [smem:$0x0];
	_ =	sdelay $0x2  }
0x2f: {  	s31 =	sshll.u32 s3, $0xD;
	s3 =	sshrl.u32 s3, $0x2  }
0x30: {  	s2 =	sand.u32 $0x4000, s31;
	s1 =	sadd.s32 s3, s30  }
0x31: {  	s0 =	sor.u32 s2, s0;
	s1 =	sshll.u32 s1, $0x11  }
0x32: {  	s0 =	sor.u32 s1, s0  }
0x33: {  	s0 =	sadd.s32 $0x8F2B, s0  }
0x34: {  	[sflag:s0] =	ssyncadd.remote.s32 $0x1  }
0x35: {  	_ =	sfence.sel $0xFFFF  }
0x36: {  	[dreg:$0x0] =	wrdreg $0xFFFFFFFF;
	(pc) =	sbr.abs _section_cstart, $3  }
0x37: {  	[dreg:$0x1] =	wrdreg $0xFFFFFFFF  }
0x38: {  	_ =	task.clear_ibuf [dreg:s6], $0x2FFFF;
	_ =	strace $0x9FFFFFFF  }
0x39: {  	(tm) =	ssettm $0x7FFFFFFF  }
tec
execute0_lowered:
.L_overlay_start_1:
0x0: {  	(tag) =	ssettag $0x1  }
0x1: {  	s1 =	rddreg [dreg:$0x0]  }
0x2: {  	s0 =	rddreg [dreg:$0x1]  }
0x3: {  	_ =	strace $0x8000004A;
	s4 =	srdreg.scid;
	s6 =	simm.s32 $0x2  }
0x4: {  	s13 =	simm.s32 $0x0;
	p0 =	por $0x0, $0x0;
	s15 =	simm.s32 $0x0  }
0x5: {  	s14 =	simm.s32 $0x0;
	s8 =	simm.s32 $0x0;
	s9 =	simm.s32 $0x0  }
.Ltmp0:
0x6: {  	s10 =	simm.s32 $0x0;
	s12 =	simm.s32 $0x0;
	(pc) =	sbr.rel .LBB1_1-.Ltmp0, $4  }
0x7: {  	s2 =	sadd.s32 $0x1322E00, s1;
	s3 =	sadd.s32 $0xB71E00, s1;
	s5 =	sshll.u32 s4, $0x4  }
0x8: {  	s1 =	stileid.u32;
	s4 =	simm.s32 $0x1;
	s5 =	sand.u32 $0x10, s5  }
0x9: {  	s7 =	simm.s32 $0x0;
	[sflag:s4] =	ssyncpa.u1 $0x0;
	s5 =	sor.u32 s1, s5  }
0xa: {  	[sflag:s6] =	ssyncpa.u1 $0x0;
	s6 =	simm.s32 $0x0;
	s11 =	smov.u32 s5  }
.LBB1_5:
0xb: {  	p1 =	slt.u32 s7, $0x2  }
0xc: {  	p2 =	sgt.s32 @!p1 s15, $0x1F  }
0xd: {  	s16 =	smov.u32 s15;
	s17 =	sshra.s32 @!p1 s15, $0x1F;
	p2 =	por !p2, p1  }
0xe: {  	s15 =	sand.u32 @!p1 s17, s15;
	s16 =	simm.s32 @p2 $0x1F  }
0xf: {  	p3 =	sgt.s32 @!p1 s13, $0x1E08;
	s15 =	ssub.s32 @!p1 s16, s15  }
0x10: {  	p3 =	por !p3, p1;
	s17 =	smov.u32 s13;
	s16 =	sadd.s32 @!p1 $0xFFFFFFE1, s15  }
0x11: {  	s15 =	ssub.s32 @!p1 $0x20, s15;
	p2 =	sgt.s32 @!p1 s16, $0x0;
	s16 =	sshra.s32 @!p1 s13, $0x1F  }
0x12: {  	s13 =	sand.u32 @!p1 s16, s13;
	s16 =	ssub.s32 @!p1 $0x0, s14;
	p2 =	por !p2, p1  }
0x13: {  	s17 =	simm.s32 @p3 $0x1E08;
	s14 =	smin.u32 @!p1 s14, s16;
	s15 =	simm.s32 @!p2 $0x0  }
0x14: {  	s13 =	ssub.s32 @!p1 s17, s13;
	s17 =	smov.u32 s11;
	p2 =	sgt.s32 @!p1 s14, $0x7F  }
0x15: {  	s16 =	sadd.s32 @!p1 $0xFFFFE1F8, s13;
	s14 =	ssub.s32 @!p1 $0x80, s14;
	p2 =	por !p2, p1  }
0x16: {  	s13 =	ssub.s32 @!p1 $0x1E88, s13;
	p3 =	sgt.s32 @!p1 s16, $0x7F;
	s14 =	simm.s32 @!p2 $0x0  }
0x17: {  	s16 =	sadd.s32 $0x80, s10;
	p2 =	por !p3, p1;
	s14 =	smul.u32 @!p1 s14, s15  }
0x18: {  	s13 =	simm.s32 @!p2 $0x0;
	p2 =	sgt.s32 s16, $0x1E84;
	s15 =	sadd.s32 $0x20, s11  }
0x19: {  	s18 =	smov.u32 s12;
	s17 =	smov.u32 @p2 s15  }
0x1a: {  	s13 =	smul.u32 @!p1 s13, s14;
	p3 =	sgt.s32 s17, $0x1F;
	s14 =	sadd.s32 $0x80, s12  }
0x1b: {  	s7 =	sadd.s32 $0x1, s7;
	p0 =	por !p0, !p0;
	s18 =	smov.u32 @p3 s14  }
0x1c: {  	s19 =	simm.s32 @!p1 $0x2;
	s16 =	simm.s32 @p2 $0x0;
	p2 =	sgt.s32 s18, $0x7F  }
0x1d: {  	s15 =	smov.u32 s8;
	s18 =	simm.s32 @p2 $0x0;
	p2 =	sne.s32 s7, $0x40  }
.Ltmp1:
0x1e: {  	s8 =	smov.u32 s11;
	s17 =	smov.u32 @p3 s5;
	(pc) =	sbr.rel @!p2 .LBB1_6-.Ltmp1, $4  }
0x1f: {  	s14 =	smov.u32 s9;
	s9 =	smov.u32 s12;
	s13 =	sand.u32 @!p1 $0x3FFFFFFF, s13  }
0x20: {  	s11 =	smov.u32 s17;
	_ =	swait.ge @!p1 [sflag:s19], s13;
	s20 =	ssub.s32 @!p1 $0x0, s13  }
0x21: {  	s13 =	smov.u32 s6;
	s6 =	smov.u32 s10;
	[sflag:s19] =	ssyncset.done @!p1 $0x0  }
0x22: {  	s10 =	smov.u32 s16;
	s12 =	smov.u32 s18;
	[sflag:s19] =	ssyncadd.s32 @!p1 s20  }
.LBB1_1:
0x23: {  	p1 =	sgt.u32 s7, $0x3D  }
0x24: {  	s16 =	sshrl.u32 @!p1 s11, $0x3  }
0x25: {  	s17 =	sshll.u32 @!p1 s10, $0x3;
	s16 =	smul.u32 @!p1 $0xF800, s16  }
0x26: {  	s18 =	sshll.u32 @!p1 s11, $0x7;
	s17 =	sand.u32 @!p1 $0xFFFFFC00, s17  }
0x27: {  	s16 =	sadd.s32 @!p1 s16, s17;
	s17 =	sand.u32 @!p1 $0x380, s18  }
0x28: {  	s16 =	sor.u32 @!p1 s17, s16  }
0x29: {  	s17 =	sshrl.u32 @!p1 s16, $0x8  }
0x2a: {  	s17 =	smulhi.u32 @!p1 $0x8421085, s17;
	_ =	sdelay $0x1  }
0x2b: {  	s19 =	sand.u32 @!p1 $0x7F, s10;
	s18 =	sxor.u32 @!p1 $0xFFFFFFFF, s7;
	s20 =	smul.u32 @!p1 $0x1F00, s17  }
0x2c: {  	s16 =	sor.u32 @!p1 s19, s16;
	s19 =	smul.u32 @!p1 $0x7C00, s12;
	s17 =	sand.u32 @!p1 $0x1F, s17  }
0x2d: {  	s18 =	sshll.u32 @!p1 s18, $0xE;
	s17 =	smul.u32 @!p1 $0x3E0, s17;
	s16 =	ssub.s32 @!p1 s16, s20  }
0x2e: {  	s18 =	sand.u32 @!p1 $0x4000, s18;
	s19 =	sadd.s32 @!p1 s2, s19;
	s20 =	sand.u32 @!p1 $0x7, s16  }
0x2f: {  	s16 =	sshrl.u32 @!p1 s16, $0x3;
	s17 =	sadd.s32 @!p1 s17, s19;
	s19 =	sshll.u32 @!p1 s20, $0x12  }
0x30: {  	s16 =	sadd.s32 @!p1 s16, s17;
	s17 =	sor.u32 @!p1 $0x80, s19;
	s19 =	simm.s32 @!p1 $0x3E000  }
0x31: {  	[tilespmem:s18], [sflag:$0x1] =	stream.strided.gather @!p1 [hbm4b:s16+s17], $0x4000, s19, s17, $0x38;
	[tilespmem:$0x10100] =	vst v63  }
0x32: {  	p1 =	seq.s32 s7, $0x0  }
0x33: {  	p2 =	seq.s32 @!p1 s7, $0x3F  }
0x34: {  	p1 =	por p1, p2  }
.Ltmp2:
0x35: {  	_ = 	snop;
	(pc) =	sbr.rel @p1 .LBB1_5-.Ltmp2, $1  }
0x36: {  	_ =	sdelay $0x3  }
0x37: {  	s16 =	simm.s32 $0x1  }
0x38: {  	_ =	swait.ge [sflag:s4], $0x4000;
	s16 =	simm.s32 @!p0 $0x0  }
0x39: {  	[sflag:s4] =	ssyncset.done $0x0;
	s17 =	sshll.u32 s16, $0xE  }
0x3a: {  	[sflag:s4] =	ssyncadd.s32 $0xFFFFC000;
	s17 =	sor.u32 $0x40, s17  }
0x3b: {  	s16 =	smul.u32 $0x10200, s16;
	v0 =	vld [tilespmem:s17+$0x30]  }
0x3c: {  	v1 =	vld [tilespmem:s17+$0xFFFFFFD0]  }
0x3d: {  	s16 =	sshrl.u32 s16, $0x2;
	v5 =	vld [tilespmem:s17+$0xFFFFFFE0]  }
0x3e: {  	v6 =	vld [tilespmem:s17+$0xFFFFFFF0];
	s19 =	sor.u32 $0x8000, s16  }
0x3f: {  	s31 =	sand.u32 $0x1, s7;
	v4 =	vld [tilespmem:s17+$0x0];
	s18 =	sadd.s32 $0x0, s19  }
0x40: {  	v3 =	vld [tilespmem:s17+$0x10];
	s16 =	smul.u32 $0x10200, s31;
	[tilespmem:s18+$0x3870 ss:$0x81] =	vst.msk $0xffff, v0  }
0x41: {  	v2 =	vld [tilespmem:s17+$0x20];
	[tilespmem:s18+$0x810 ss:$0x81] =	vst.msk $0xffff, v1  }
0x42: {  	s16 =	sshrl.u32 s16, $0x2;
	v0 =	vld [tilespmem:s17+$0xFFFFFFC0];
	[tilespmem:s18+$0x1020 ss:$0x81] =	vst.msk $0xffff, v5;
	s17 =	sadd.s32 $0x80, s17  }
0x43: {  	s20 =	simm.s32 $0x4;
	s21 =	simm.s32 $0x8;
	s16 =	sor.u32 $0x8000, s16;
	[tilespmem:s18+$0x1830 ss:$0x81] =	vst.msk $0xffff, v6;
	v1 =	vld [tilespmem:s17+$0x30]  }
.LBB1_3:
0x44: {  	p1 =	sne.s32 s21, $0x1FC;
	v5 =	vld [tilespmem:s17+$0xFFFFFFD0];
	[tilespmem:s18+$0x2040 ss:$0x81] =	vst.msk $0xffff, v4  }
0x45: {  	v6 =	vld [tilespmem:s17+$0xFFFFFFE0];
	[tilespmem:s18+$0x2850 ss:$0x81] =	vst.msk $0xffff, v3  }
0x46: {  	s22 =	sshra.s32 s20, $0x2;
	s20 =	smov.u32 s21;
	v7 =	vld [tilespmem:s17+$0xFFFFFFF0];
	[tilespmem:s18+$0x3060 ss:$0x81] =	vst.msk $0xffff, v2  }
.Ltmp3:
0x47: {  	v4 =	vld [tilespmem:s17+$0x0];
	[tilespmem:s18+$0x0 ss:$0x81] =	vst.msk $0xffff, v0;
	s18 =	sadd.s32 s22, s19;
	(pc) =	sbr.rel @p1 .LBB1_3-.Ltmp3, $4  }
0x48: {  	v3 =	vld [tilespmem:s17+$0x10];
	[tilespmem:s18+$0x3870 ss:$0x81] =	vst.msk $0xffff, v1  }
0x49: {  	[tilespmem:s18+$0x810 ss:$0x81] =	vst.msk $0xffff, v5;
	v2 =	vld [tilespmem:s17+$0x20]  }
0x4a: {  	v0 =	vld [tilespmem:s17+$0xFFFFFFC0];
	[tilespmem:s18+$0x1020 ss:$0x81] =	vst.msk $0xffff, v6;
	s17 =	sadd.s32 $0x80, s17  }
0x4b: {  	s21 =	sadd.s32 $0x4, s21;
	v1 =	vld [tilespmem:s17+$0x30];
	[tilespmem:s18+$0x1830 ss:$0x81] =	vst.msk $0xffff, v7  }
0x4c: {  	s21 =	sshll.u32 s6, $0x7  }
0x4d: {  	s22 =	sshll.u32 s9, $0x3;
	p1 =	sgt.s32 s8, $0x1F;
	s27 =	sshra.s32 s8, $0x1F  }
0x4e: {  	s20 =	sshra.s32 s20, $0x2;
	s23 =	sand.u32 $0xFFFFFC00, s21;
	s22 =	sand.u32 $0xFFFFFC00, s22  }
0x4f: {  	s30 =	ssub.s32 $0x0, s9;
	s21 =	sand.u32 $0x380, s21;
	s22 =	sadd.s32 s22, s23  }
0x50: {  	[tilespmem:s18+$0x2040 ss:$0x81] =	vst.msk $0xffff, v4;
	s31 =	sshra.s32 s6, $0x1F;
	s21 =	sor.u32 s21, s22;
	s22 =	smov.u32 s8  }
0x51: {  	s19 =	sadd.s32 s20, s19;
	[tilespmem:s18+$0x2850 ss:$0x81] =	vst.msk $0xffff, v3;
	s23 =	sand.u32 s27, s8;
	s22 =	simm.s32 @!p1 $0x1F  }
0x52: {  	v5 =	vld [tilespmem:s17+$0xFFFFFFD0];
	[tilespmem:s18+$0x3060 ss:$0x81] =	vst.msk $0xffff, v2;
	s27 =	smul.u32 $0x1E880, s8;
	s21 =	sshrl.u32 s21, $0x7;
	s22 =	ssub.s32 s22, s23  }
0x53: {  	v58 =	vld [tilespmem:s17+$0xFFFFFFE0];
	[tilespmem:s18+$0x0 ss:$0x81] =	vst.msk $0xffff, v0;
	s18 =	sand.u32 s31, s6;
	s24 =	smulhi.u32 $0x218A169, s21;
	s28 =	sadd.s32 $0xFFFFFFE1, s22  }
0x54: {  	v59 =	vld [tilespmem:s17+$0xFFFFFFF0];
	s20 =	ssub.s32 $0x20, s22;
	s22 =	smov.u32 s6;
	p1 =	sgt.s32 s28, $0x0  }
0x55: {  	v60 =	vld [tilespmem:s17+$0x0];
	s29 =	sshrl.u32 s24, $0x6;
	s20 =	simm.s32 @p1 $0x0;
	p1 =	sgt.s32 s6, $0x1E08  }
0x56: {  	v61 =	vld [tilespmem:s17+$0x10];
	[tilespmem:s19+$0x3870 ss:$0x81] =	vst.msk $0xffff, v1;
	s24 =	smin.u32 s9, s30;
	s28 =	sshrl.u32 s9, $0x3;
	s22 =	simm.s32 @!p1 $0x1E08  }
0x57: {  	v62 =	vld [tilespmem:s17+$0x20];
	[tilespmem:s19+$0x810 ss:$0x81] =	vst.msk $0xffff, v5;
	p1 =	sgt.s32 s24, $0x7F;
	s24 =	ssub.s32 $0x80, s24;
	s18 =	ssub.s32 s22, s18  }
0x58: {  	v63 =	vld [tilespmem:s17+$0xFFFFFFC0];
	[tilespmem:s19+$0x1020 ss:$0x81] =	vst.msk $0xffff, v58;
	s23 =	smul.u32 $0x1E88, s29;
	s24 =	simm.s32 @p1 $0x0;
	s26 =	sadd.s32 $0xFFFFE1F8, s18  }
0x59: {  	[tilespmem:s19+$0x1830 ss:$0x81] =	vst.msk $0xffff, v59;
	s25 =	smul.u32 s24, s20;
	s18 =	ssub.s32 $0x1E88, s18;
	p1 =	sgt.s32 s26, $0x7F  }
.Ltmp4:
0x5a: {  	[tilespmem:s19+$0x2040 ss:$0x81] =	vst.msk $0xffff, v60;
	s29 =	sand.u32 $0xF, s28;
	s18 =	simm.s32 @p1 $0x0;
	(pc) =	sbr.rel .LBB1_5-.Ltmp4, $4  }
0x5b: {  	[tilespmem:s19+$0x2850 ss:$0x81] =	vst.msk $0xffff, v61;
	s21 =	ssub.s32 s21, s23;
	s20 =	sadd.s32 s3, s27;
	s17 =	smul.u32 s18, s25  }
0x5c: {  	[tilespmem:s19+$0x3060 ss:$0x81] =	vst.msk $0xffff, v62;
	s30 =	sshll.u32 s21, $0x4;
	s18 =	sadd.s32 s29, s20  }
0x5d: {  	s31 =	sand.u32 $0x7, s9;
	[tilespmem:s19+$0x0 ss:$0x81] =	vst.msk $0xffff, v63;
	s18 =	sadd.s32 s30, s18;
	s17 =	sand.u32 $0x3FFFFFFF, s17  }
0x5e: {  	[hbm4b:s18+s31] =	stream.linear.scatter [tilespmem:s16], [sflag:$0x2], s17, $0x20;
	[tilespmem:$0x10100] =	vst v63  }
.LBB1_6:
0x5f: {  	_ =	sfence.sel $0x180000  }
0x60: {  	s2 =	simm.s32 $0x1;
	[bflag:$0x0] =	sbarrier.arrive $0xFFFF  }
0x61: {  	s31 =	simm.s32 $0x2;
	[sflag:s2] =	ssyncpa.u1 $0x1  }
0x62: {  	[sflag:s31] =	ssyncpa.u1 $0x1  }
0x63: {  	p0 =	sne.s32 s1, $0x0;
	_ =	strace $0x9000004A  }
0x64: {  	s0 =	sadd.s32 @!p0 $0x100000, s0;
	[bflag:$0x2] =	sbarrier.arrive $0xFFFF  }
0x65: {  	[sflag:s0] =	ssyncadd.tile.s32 @!p0 $0x1;
	_ =	shalt  }
.Lfunc_end1:
_tile_overlayer_lowered:
.L_overlay_start_2:
0x66: {  	(tag) =	ssettag $0x2  }
0x67: {  	s0 =	rddreg [dreg:$0x0];
	s2 =	stileid.u32  }
0x68: {  	s1 =	rddreg [dreg:$0x1];
	p0 =	sne.s32 s2, $0x0  }
0x69: {  	s3 =	rddreg [dreg:$0x2];
	[bflag:$0x3] =	sbarrier.arrive $0xFFFF;
	s2 =	simm.s32 @!p0 $0x1C01  }
0x6a: {  	[timem:s3], [sflag:s2] =	dma.local @!p0 [hbm:s0], s1  }
0x6b: {  	s0 =	simm.s32 @!p0 $0x1  }
0x6c: {  	_ =	swait.ge @!p0 [sflag:s0], s1  }
0x6d: {  	s1 =	ssub.s32 @!p0 $0x0, s1;
	[sflag:s0] =	ssyncset.done @!p0 $0x0  }
0x6e: {  	[sflag:s0] =	ssyncadd.s32 @!p0 s1  }
0x6f: {  	[bflag:$0x3] =	sbarrier.arrive $0xFFFF  }
0x70: {  	_ =	shalt  }

// kernel: sparse-core-data-format-call.2.cloned.1.call-start
scs
called_computation.2_lowered:
.L_overlay_start_0:
0x0: {  	s1 =	sld [smem:$0x3FD9]  }
0x1: {  	s2 =	sld [smem:$0x3FFE];
	_ =	sdelay $0x1  }
0x2: {  	s3 =	srdreg.scid  }
0x3: {  	s0 =	sand.u32 $0x1, s3  }
0x4: {  	s17 =	sshll.u32 s0, $0xA;
	s1 =	sadd.s32 s2, s1  }
0x5: {  	s1 =	sadd.s32 s1, s17  }
0x6: {  	[smem:$0x3FC6] =	sst s1  }
0x7: {  	_ = 	snop  }
0x8: {  	(tm) =	ssettm $0x1  }
0x9: {  	s18 =	sld [smem:$0x3FFB];
	_ =	sdelay $0x3  }
0xa: {  	_ =	strace s18  }
0xb: {  	s1 =	sld [smem:$0x3FFC];
	_ =	sdelay $0x3  }
0xc: {  	_ =	strace s1  }
0xd: {  	s1 =	sld [smem:$0x3FFD];
	_ =	sdelay $0x3  }
0xe: {  	_ =	strace s1  }
0xf: {  	_ =	strace $0x8FFFFFFF  }
0x10: {  	s19 =	sld [smem:$0x3FDB];
	_ =	sdelay $0x1  }
0x11: {  	s20 =	simm.s32 $_scs_section_size  }
0x12: {  	s4 =	simm.s32 $_size__tile_overlayer_lowered;
	s5 =	simm.s32 $_tile_overlayer_lowered  }
0x13: {  	s23 =	simm.s32 $0x1BFF;
	s22 =	sshll.u32 s5, $0x1;
	s1 =	sadd.s32 s20, s19  }
0x14: {  	s6 =	simm.s32 $0x0;
	s21 =	sshll.u32 s4, $0x1;
	s4 =	sadd.s32 s22, s1  }
0x15: {  	[timem:s6], [sflag:s23] =	dma.local [hbm:s4], s21  }
0x16: {  	_ =	swait.ge [sflag:s23], s21  }
0x17: {  	s2 =	ssub.s32 $0x0, s21;
	[sflag:s23] =	ssyncset.done $0x0  }
0x18: {  	[sflag:s23] =	ssyncadd.s32 s2;
	_ =	sdelay $0x1  }
0x19: {  	s24 =	simm.s32 $0x1B8B  }
0x1a: {  	_ =	swait.ge [sflag:s24], $0x1  }
0x1b: {  	[sflag:s24] =	ssyncset.done $0x0  }
0x1c: {  	s26 =	simm.s32 $0x1B8E;
	s25 =	sld [smem:$0x3FFE];
	[sflag:s24] =	ssyncadd.s32 $0xFFFFFFFF  }
0x1d: {  	s27 =	simm.s32 $execute0_lowered;
	[smem:$0x3FD2] =	sst s26  }
0x1e: {  	s4 =	sshll.u32 s27, $0x1;
	_ =	strace $0x80000046;
	[dreg:$0x1] =	wrdreg $0xFFFFFFFF  }
0x1f: {  	s28 =	simm.s32 $_size_execute0_lowered;
	s1 =	sadd.s32 s1, s4;
	[dreg:$0x0] =	wrdreg $0x0  }
0x20: {  	s4 =	sshll.u32 s28, $0x1;
	[dreg:$0x2] =	wrdreg s1  }
0x21: {  	[dreg:$0x3] =	wrdreg s4  }
0x22: {  	[dreg:$0x4] =	wrdreg $0xC0  }
0x23: {  	_ =	task [dreg:s6], $0x5FFFF  }
0x24: {  	[dreg:$0x1] =	wrdreg $0xFFFFFFFF  }
0x25: {  	[dreg:$0x0] =	wrdreg $0x60  }
0x26: {  	[dreg:$0x2] =	wrdreg s25  }
0x27: {  	[dreg:$0x3] =	wrdreg $0x9  }
0x28: {  	_ =	task.clear_ibuf [dreg:s6], $0x4FFFF;
	_ =	strace $0x90000046  }
0x29: {  	s29 =	simm.s32 $0x9;
	_ =	strace $0x80000048  }
0x2a: {  	_ =	swait.ge [sflag:s29], $0x1  }
0x2b: {  	[sflag:s29] =	ssyncadd.s32 $0xFFFFFFFF  }
0x2c: {  	_ =	strace $0x90000048  }
0x2d: {  	_ =	sfence  }
0x2e: {  	s30 =	sld [smem:$0x0];
	_ =	sdelay $0x2  }
0x2f: {  	s31 =	sshll.u32 s3, $0xD;
	s3 =	sshrl.u32 s3, $0x2  }
0x30: {  	s2 =	sand.u32 $0x4000, s31;
	s1 =	sadd.s32 s3, s30  }
0x31: {  	s0 =	sor.u32 s2, s0;
	s1 =	sshll.u32 s1, $0x11  }
0x32: {  	s0 =	sor.u32 s1, s0  }
0x33: {  	s0 =	sadd.s32 $0x8F2B, s0  }
0x34: {  	[sflag:s0] =	ssyncadd.remote.s32 $0x1  }
0x35: {  	_ =	sfence.sel $0xFFFF  }
0x36: {  	[dreg:$0x0] =	wrdreg $0xFFFFFFFF;
	(pc) =	sbr.abs _section_cstart, $3  }
0x37: {  	[dreg:$0x1] =	wrdreg $0xFFFFFFFF  }
0x38: {  	_ =	task.clear_ibuf [dreg:s6], $0x2FFFF;
	_ =	strace $0x9FFFFFFF  }
0x39: {  	(tm) =	ssettm $0x7FFFFFFF  }
tec
execute0_lowered:
.L_overlay_start_1:
0x0: {  	(tag) =	ssettag $0x1  }
0x1: {  	s4 =	rddreg [dreg:$0x0]  }
0x2: {  	s0 =	rddreg [dreg:$0x1];
	_ =	strace $0x80000047;
	s3 =	srdreg.scid  }
0x3: {  	s1 =	stileid.u32;
	s6 =	simm.s32 $0x2;
	s10 =	simm.s32 $0x0  }
.Ltmp0:
0x4: {  	p0 =	por $0x0, $0x0;
	s11 =	simm.s32 $0x0;
	(pc) =	sbr.rel .LBB1_1-.Ltmp0, $4  }
0x5: {  	s8 =	simm.s32 $0x0;
	s7 =	simm.s32 $0x0;
	s5 =	sshll.u32 s3, $0x4  }
0x6: {  	s2 =	sadd.s32 $0xB71E00, s4;
	s3 =	simm.s32 $0x1;
	s5 =	sand.u32 $0x10, s5  }
0x7: {  	s4 =	sadd.s32 $0xF42E00, s4;
	[sflag:s3] =	ssyncpa.u1 $0x0;
	s5 =	sor.u32 s1, s5  }
0x8: {  	[sflag:s6] =	ssyncpa.u1 $0x0;
	s6 =	simm.s32 $0x3E000;
	s9 =	smov.u32 s5  }
.LBB1_5:
0x9: {  	s12 =	sadd.s32 $0x80, s8  }
0xa: {  	s10 =	sadd.s32 $0x20, s9;
	s14 =	smov.u32 s9;
	p2 =	sgt.s32 s12, $0x1E84  }
0xb: {  	p1 =	slt.u32 s7, $0x2;
	s14 =	smov.u32 @p2 s10  }
0xc: {  	s7 =	sadd.s32 $0x1, s7;
	s12 =	simm.s32 @p2 $0x0;
	p2 =	sgt.s32 s14, $0x1F  }
0xd: {  	s14 =	smov.u32 @p2 s5;
	p2 =	sne.s32 s7, $0x40  }
.Ltmp1:
0xe: {  	_ = 	snop;
	(pc) =	sbr.rel @!p2 .LBB1_6-.Ltmp1, $4  }
0xf: {  	s13 =	simm.s32 @!p1 $0x2  }
0x10: {  	s11 =	smov.u32 s9;
	_ =	swait.ge @!p1 [sflag:s13], $0x4000  }
0x11: {  	p0 =	por !p0, !p0;
	s10 =	smov.u32 s8;
	[sflag:s13] =	ssyncset.done @!p1 $0x0  }
0x12: {  	s8 =	smov.u32 s12;
	[sflag:s13] =	ssyncadd.s32 @!p1 $0xFFFFC000;
	s9 =	smov.u32 s14  }
.LBB1_1:
0x13: {  	p1 =	sgt.u32 s7, $0x3D;
	s13 =	smov.u32 s9  }
0x14: {  	s16 =	smov.u32 s8;
	p2 =	sgt.s32 @!p1 s9, $0x1F;
	s12 =	sand.u32 @!p1 $0x1FFFFFF, s8  }
0x15: {  	s15 =	sshra.s32 @!p1 s9, $0x1F;
	s17 =	sshra.s32 @!p1 s8, $0x1F;
	p2 =	por !p2, p1  }
0x16: {  	s14 =	smulhi.u32 @!p1 $0x218A169, s12;
	s13 =	simm.s32 @p2 $0x1F;
	p2 =	sgt.s32 @!p1 s8, $0x1E08  }
0x17: {  	s15 =	sand.u32 @!p1 s15, s9;
	s17 =	sand.u32 @!p1 s17, s8;
	p2 =	por !p2, p1  }
0x18: {  	s13 =	ssub.s32 @!p1 s13, s15;
	s14 =	sshrl.u32 @!p1 s14, $0x6;
	s16 =	simm.s32 @p2 $0x1E08  }
0x19: {  	s13 =	sadd.s32 @!p1 $0xFFFFFFE1, s13;
	s14 =	smul.u32 @!p1 $0x1E88, s14;
	s15 =	ssub.s32 @!p1 s16, s17  }
0x1a: {  	p2 =	sgt.s32 @!p1 s13, $0x0;
	s13 =	sshll.u32 @!p1 s13, $0x7;
	s16 =	sadd.s32 @!p1 $0xFFFFE1F8, s15  }
0x1b: {  	s17 =	smul.u32 @!p1 $0x1E880, s9;
	s15 =	ssub.s32 @!p1 $0x1E88, s15;
	p3 =	sgt.s32 @!p1 s16, $0x7F  }
0x1c: {  	s13 =	ssub.s32 @!p1 $0x80, s13;
	p2 =	por !p2, p1;
	p3 =	por !p3, p1  }
0x1d: {  	s16 =	sxor.u32 @!p1 $0xFFFFFFFF, s7;
	s13 =	simm.s32 @!p2 $0x0;
	s15 =	simm.s32 @!p3 $0x0  }
0x1e: {  	s12 =	ssub.s32 @!p1 s12, s14;
	s14 =	sshll.u32 @!p1 s16, $0xE;
	s13 =	smul.u32 @!p1 s15, s13  }
0x1f: {  	s12 =	sshll.u32 @!p1 s12, $0x4;
	s14 =	sand.u32 @!p1 $0x4000, s14;
	s15 =	sadd.s32 @!p1 s2, s17  }
0x20: {  	s12 =	sadd.s32 @!p1 s12, s15;
	s15 =	simm.s32 @!p1 $0x0;
	s13 =	sand.u32 @!p1 $0x3FFFFF80, s13  }
0x21: {  	[tilespmem:s14], [sflag:$0x1] =	stream.linear.gather @!p1 [hbm4b:s12+s15], s13, $0x38;
	[tilespmem:$0x10100] =	vst v63  }
0x22: {  	p1 =	seq.s32 s7, $0x0  }
0x23: {  	p2 =	seq.s32 @!p1 s7, $0x3F  }
0x24: {  	p1 =	por p1, p2  }
.Ltmp2:
0x25: {  	_ = 	snop;
	(pc) =	sbr.rel @p1 .LBB1_5-.Ltmp2, $1  }
0x26: {  	_ =	sdelay $0x3  }
0x27: {  	p1 =	sgt.s32 s11, $0x1F;
	s12 =	smov.u32 s11  }
0x28: {  	s13 =	sshra.s32 s11, $0x1F;
	s14 =	smov.u32 s10;
	s15 =	sshra.s32 s10, $0x1F  }
0x29: {  	s12 =	simm.s32 @!p1 $0x1F;
	s13 =	sand.u32 s13, s11;
	p1 =	sgt.s32 s10, $0x1E08  }
0x2a: {  	s27 =	sand.u32 s15, s10;
	s12 =	ssub.s32 s12, s13;
	s14 =	simm.s32 @!p1 $0x1E08  }
0x2b: {  	s12 =	sadd.s32 $0xFFFFFFE1, s12;
	s13 =	ssub.s32 s14, s27  }
0x2c: {  	p1 =	sgt.s32 s12, $0x0;
	s14 =	sadd.s32 $0xFFFFE1F8, s13;
	s12 =	sshll.u32 s12, $0x7  }
0x2d: {  	s13 =	ssub.s32 $0x1E88, s13;
	p2 =	sgt.s32 s14, $0x7F;
	s12 =	ssub.s32 $0x80, s12  }
0x2e: {  	s13 =	simm.s32 @p2 $0x0;
	s12 =	simm.s32 @p1 $0x0  }
0x2f: {  	s12 =	smul.u32 s13, s12;
	_ =	sdelay $0x1  }
0x30: {  	s13 =	simm.s32 $0x1;
	s12 =	sand.u32 $0x3FFFFF80, s12  }
0x31: {  	s13 =	simm.s32 @!p0 $0x0;
	_ =	swait.ge [sflag:s3], s12  }
0x32: {  	s28 =	sshll.u32 s13, $0xE;
	s12 =	ssub.s32 $0x0, s12;
	[sflag:s3] =	ssyncset.done $0x0  }
0x33: {  	s29 =	sor.u32 $0x40, s28;
	[sflag:s3] =	ssyncadd.s32 s12  }
0x34: {  	s30 =	smul.u32 $0x10200, s13;
	v0 =	vld [tilespmem:s29+$0x30]  }
0x35: {  	v1 =	vld [tilespmem:s29+$0xFFFFFFD0]  }
0x36: {  	s12 =	sshrl.u32 s30, $0x2;
	v5 =	vld [tilespmem:s29+$0xFFFFFFE0]  }
0x37: {  	s13 =	sor.u32 $0x8000, s12;
	v6 =	vld [tilespmem:s29+$0xFFFFFFF0]  }
0x38: {  	s31 =	sand.u32 $0x1, s7;
	v4 =	vld [tilespmem:s29+$0x0];
	s14 =	sadd.s32 $0x0, s13  }
0x39: {  	s12 =	smul.u32 $0x10200, s31;
	v3 =	vld [tilespmem:s29+$0x10];
	[tilespmem:s14+$0x3870 ss:$0x81] =	vst.msk $0xffff, v0  }
0x3a: {  	v2 =	vld [tilespmem:s29+$0x20];
	[tilespmem:s14+$0x810 ss:$0x81] =	vst.msk $0xffff, v1  }
0x3b: {  	s15 =	sadd.s32 $0x80, s29;
	s12 =	sshrl.u32 s12, $0x2;
	v0 =	vld [tilespmem:s29+$0xFFFFFFC0];
	[tilespmem:s14+$0x1020 ss:$0x81] =	vst.msk $0xffff, v5  }
0x3c: {  	s16 =	simm.s32 $0x4;
	s17 =	simm.s32 $0x8;
	s12 =	sor.u32 $0x8000, s12;
	v1 =	vld [tilespmem:s15+$0x30];
	[tilespmem:s14+$0x1830 ss:$0x81] =	vst.msk $0xffff, v6  }
.LBB1_3:
0x3d: {  	p1 =	sne.s32 s17, $0x1FC;
	v5 =	vld [tilespmem:s15+$0xFFFFFFD0];
	[tilespmem:s14+$0x2040 ss:$0x81] =	vst.msk $0xffff, v4  }
0x3e: {  	v6 =	vld [tilespmem:s15+$0xFFFFFFE0];
	[tilespmem:s14+$0x2850 ss:$0x81] =	vst.msk $0xffff, v3  }
0x3f: {  	s18 =	sshra.s32 s16, $0x2;
	s16 =	smov.u32 s17;
	v7 =	vld [tilespmem:s15+$0xFFFFFFF0];
	[tilespmem:s14+$0x3060 ss:$0x81] =	vst.msk $0xffff, v2  }
.Ltmp3:
0x40: {  	v4 =	vld [tilespmem:s15+$0x0];
	[tilespmem:s14+$0x0 ss:$0x81] =	vst.msk $0xffff, v0;
	s14 =	sadd.s32 s18, s13;
	(pc) =	sbr.rel @p1 .LBB1_3-.Ltmp3, $4  }
0x41: {  	v3 =	vld [tilespmem:s15+$0x10];
	[tilespmem:s14+$0x3870 ss:$0x81] =	vst.msk $0xffff, v1  }
0x42: {  	[tilespmem:s14+$0x810 ss:$0x81] =	vst.msk $0xffff, v5;
	v2 =	vld [tilespmem:s15+$0x20]  }
0x43: {  	v0 =	vld [tilespmem:s15+$0xFFFFFFC0];
	[tilespmem:s14+$0x1020 ss:$0x81] =	vst.msk $0xffff, v6;
	s15 =	sadd.s32 $0x80, s15  }
0x44: {  	s17 =	sadd.s32 $0x4, s17;
	v1 =	vld [tilespmem:s15+$0x30];
	[tilespmem:s14+$0x1830 ss:$0x81] =	vst.msk $0xffff, v7  }
0x45: {  	s17 =	sshrl.u32 s11, $0x3  }
0x46: {  	s18 =	sshll.u32 s10, $0x3;
	s17 =	smul.u32 $0xF800, s17  }
0x47: {  	v5 =	vld [tilespmem:s15+$0xFFFFFFD0];
	[tilespmem:s14+$0x2040 ss:$0x81] =	vst.msk $0xffff, v4;
	s26 =	sshll.u32 s11, $0x7;
	s18 =	sand.u32 $0xFFFFFC00, s18  }
0x48: {  	v58 =	vld [tilespmem:s15+$0xFFFFFFE0];
	[tilespmem:s14+$0x2850 ss:$0x81] =	vst.msk $0xffff, v3;
	s11 =	sand.u32 $0x380, s26;
	s17 =	sadd.s32 s17, s18  }
0x49: {  	s16 =	sshra.s32 s16, $0x2;
	v59 =	vld [tilespmem:s15+$0xFFFFFFF0];
	[tilespmem:s14+$0x3060 ss:$0x81] =	vst.msk $0xffff, v2;
	s11 =	sor.u32 s11, s17  }
0x4a: {  	v60 =	vld [tilespmem:s15+$0x0];
	s13 =	sadd.s32 s16, s13;
	[tilespmem:s14+$0x0 ss:$0x81] =	vst.msk $0xffff, v0;
	s27 =	sshrl.u32 s11, $0x8  }
0x4b: {  	v61 =	vld [tilespmem:s15+$0x10];
	[tilespmem:s13+$0x3870 ss:$0x81] =	vst.msk $0xffff, v1;
	s14 =	smulhi.u32 $0x8421085, s27  }
0x4c: {  	v62 =	vld [tilespmem:s15+$0x20];
	[tilespmem:s13+$0x810 ss:$0x81] =	vst.msk $0xffff, v5  }
0x4d: {  	v63 =	vld [tilespmem:s15+$0xFFFFFFC0];
	s28 =	sand.u32 $0x7F, s10;
	[tilespmem:s13+$0x1020 ss:$0x81] =	vst.msk $0xffff, v58;
	s29 =	smul.u32 $0x1F00, s14  }
0x4e: {  	[tilespmem:s13+$0x1830 ss:$0x81] =	vst.msk $0xffff, v59;
	s10 =	sor.u32 s28, s11  }
.Ltmp4:
0x4f: {  	[tilespmem:s13+$0x2040 ss:$0x81] =	vst.msk $0xffff, v60;
	s30 =	sand.u32 $0x1F, s14;
	s10 =	ssub.s32 s10, s29;
	(pc) =	sbr.rel .LBB1_5-.Ltmp4, $4  }
0x50: {  	[tilespmem:s13+$0x2850 ss:$0x81] =	vst.msk $0xffff, v61;
	s11 =	smul.u32 $0x3E0, s30;
	s31 =	sshrl.u32 s10, $0x3;
	s10 =	sand.u32 $0x7, s10  }
0x51: {  	[tilespmem:s13+$0x3060 ss:$0x81] =	vst.msk $0xffff, v62;
	s14 =	sadd.s32 s4, s31;
	s10 =	sshll.u32 s10, $0x12  }
0x52: {  	[tilespmem:s13+$0x0 ss:$0x81] =	vst.msk $0xffff, v63;
	s11 =	sadd.s32 s11, s14;
	s10 =	sor.u32 $0x80, s10  }
0x53: {  	[hbm4b:s11+s10] =	stream.strided.scatter [tilespmem:s12], [sflag:$0x2], $0x4000, s6, s10, $0x20;
	[tilespmem:$0x10100] =	vst v63  }
.LBB1_6:
0x54: {  	_ =	sfence.sel $0x180000  }
0x55: {  	s2 =	simm.s32 $0x1;
	[bflag:$0x0] =	sbarrier.arrive $0xFFFF  }
0x56: {  	s31 =	simm.s32 $0x2;
	[sflag:s2] =	ssyncpa.u1 $0x1  }
0x57: {  	[sflag:s31] =	ssyncpa.u1 $0x1  }
0x58: {  	p0 =	sne.s32 s1, $0x0;
	_ =	strace $0x90000047  }
0x59: {  	s0 =	sadd.s32 @!p0 $0x100000, s0;
	[bflag:$0x2] =	sbarrier.arrive $0xFFFF  }
0x5a: {  	[sflag:s0] =	ssyncadd.tile.s32 @!p0 $0x1;
	_ =	shalt  }
.Lfunc_end1:
_tile_overlayer_lowered:
.L_overlay_start_2:
0x5b: {  	(tag) =	ssettag $0x2  }
0x5c: {  	s0 =	rddreg [dreg:$0x0];
	s2 =	stileid.u32  }
0x5d: {  	s1 =	rddreg [dreg:$0x1];
	p0 =	sne.s32 s2, $0x0  }
0x5e: {  	s3 =	rddreg [dreg:$0x2];
	[bflag:$0x3] =	sbarrier.arrive $0xFFFF;
	s2 =	simm.s32 @!p0 $0x1C01  }
0x5f: {  	[timem:s3], [sflag:s2] =	dma.local @!p0 [hbm:s0], s1  }
0x60: {  	s0 =	simm.s32 @!p0 $0x1  }
0x61: {  	_ =	swait.ge @!p0 [sflag:s0], s1  }
0x62: {  	s1 =	ssub.s32 @!p0 $0x0, s1;
	[sflag:s0] =	ssyncset.done @!p0 $0x0  }
0x63: {  	[sflag:s0] =	ssyncadd.s32 @!p0 s1  }
0x64: {  	[bflag:$0x3] =	sbarrier.arrive $0xFFFF  }
0x65: {  	_ =	shalt  }

// kernel: sparse-core-data-format-call.cloned.1.call-start
scs
called_computation_lowered:
.L_overlay_start_0:
0x0: {  	s1 =	sld [smem:$0x3FD9]  }
0x1: {  	s2 =	sld [smem:$0x3FFE];
	_ =	sdelay $0x1  }
0x2: {  	s3 =	srdreg.scid  }
0x3: {  	s0 =	sand.u32 $0x1, s3  }
0x4: {  	s17 =	sshll.u32 s0, $0xA;
	s1 =	sadd.s32 s2, s1  }
0x5: {  	s1 =	sadd.s32 s1, s17  }
0x6: {  	[smem:$0x3FC6] =	sst s1  }
0x7: {  	_ = 	snop  }
0x8: {  	(tm) =	ssettm $0x1  }
0x9: {  	s18 =	sld [smem:$0x3FFB];
	_ =	sdelay $0x3  }
0xa: {  	_ =	strace s18  }
0xb: {  	s1 =	sld [smem:$0x3FFC];
	_ =	sdelay $0x3  }
0xc: {  	_ =	strace s1  }
0xd: {  	s1 =	sld [smem:$0x3FFD];
	_ =	sdelay $0x3  }
0xe: {  	_ =	strace s1  }
0xf: {  	_ =	strace $0x8FFFFFFF  }
0x10: {  	s19 =	sld [smem:$0x3FDB];
	_ =	sdelay $0x1  }
0x11: {  	s20 =	simm.s32 $_scs_section_size  }
0x12: {  	s4 =	simm.s32 $_size__tile_overlayer_lowered;
	s5 =	simm.s32 $_tile_overlayer_lowered  }
0x13: {  	s23 =	simm.s32 $0x1BFF;
	s22 =	sshll.u32 s5, $0x1;
	s1 =	sadd.s32 s20, s19  }
0x14: {  	s6 =	simm.s32 $0x0;
	s21 =	sshll.u32 s4, $0x1;
	s4 =	sadd.s32 s22, s1  }
0x15: {  	[timem:s6], [sflag:s23] =	dma.local [hbm:s4], s21  }
0x16: {  	_ =	swait.ge [sflag:s23], s21  }
0x17: {  	s2 =	ssub.s32 $0x0, s21;
	[sflag:s23] =	ssyncset.done $0x0  }
0x18: {  	[sflag:s23] =	ssyncadd.s32 s2;
	_ =	sdelay $0x1  }
0x19: {  	s24 =	simm.s32 $0x1B8B  }
0x1a: {  	_ =	swait.ge [sflag:s24], $0x1  }
0x1b: {  	[sflag:s24] =	ssyncset.done $0x0  }
0x1c: {  	s26 =	simm.s32 $0x1B8E;
	s25 =	sld [smem:$0x3FFE];
	[sflag:s24] =	ssyncadd.s32 $0xFFFFFFFF  }
0x1d: {  	s27 =	simm.s32 $execute0_lowered;
	[smem:$0x3FD2] =	sst s26  }
0x1e: {  	s4 =	sshll.u32 s27, $0x1;
	_ =	strace $0x8000004C;
	[dreg:$0x1] =	wrdreg $0xFFFFFFFF  }
0x1f: {  	s28 =	simm.s32 $_size_execute0_lowered;
	s1 =	sadd.s32 s1, s4;
	[dreg:$0x0] =	wrdreg $0x0  }
0x20: {  	s4 =	sshll.u32 s28, $0x1;
	[dreg:$0x2] =	wrdreg s1  }
0x21: {  	[dreg:$0x3] =	wrdreg s4  }
0x22: {  	[dreg:$0x4] =	wrdreg $0xC0  }
0x23: {  	_ =	task [dreg:s6], $0x5FFFF  }
0x24: {  	[dreg:$0x1] =	wrdreg $0xFFFFFFFF  }
0x25: {  	[dreg:$0x0] =	wrdreg $0x60  }
0x26: {  	[dreg:$0x2] =	wrdreg s25  }
0x27: {  	[dreg:$0x3] =	wrdreg $0x9  }
0x28: {  	_ =	task.clear_ibuf [dreg:s6], $0x4FFFF;
	_ =	strace $0x9000004C  }
0x29: {  	s29 =	simm.s32 $0x9;
	_ =	strace $0x8000004E  }
0x2a: {  	_ =	swait.ge [sflag:s29], $0x1  }
0x2b: {  	[sflag:s29] =	ssyncadd.s32 $0xFFFFFFFF  }
0x2c: {  	_ =	strace $0x9000004E  }
0x2d: {  	_ =	sfence  }
0x2e: {  	s30 =	sld [smem:$0x0];
	_ =	sdelay $0x2  }
0x2f: {  	s31 =	sshll.u32 s3, $0xD;
	s3 =	sshrl.u32 s3, $0x2  }
0x30: {  	s2 =	sand.u32 $0x4000, s31;
	s1 =	sadd.s32 s3, s30  }
0x31: {  	s0 =	sor.u32 s2, s0;
	s1 =	sshll.u32 s1, $0x11  }
0x32: {  	s0 =	sor.u32 s1, s0  }
0x33: {  	s0 =	sadd.s32 $0x8F2B, s0  }
0x34: {  	[sflag:s0] =	ssyncadd.remote.s32 $0x1  }
0x35: {  	_ =	sfence.sel $0xFFFF  }
0x36: {  	[dreg:$0x0] =	wrdreg $0xFFFFFFFF;
	(pc) =	sbr.abs _section_cstart, $3  }
0x37: {  	[dreg:$0x1] =	wrdreg $0xFFFFFFFF  }
0x38: {  	_ =	task.clear_ibuf [dreg:s6], $0x2FFFF;
	_ =	strace $0x9FFFFFFF  }
0x39: {  	(tm) =	ssettm $0x7FFFFFFF  }
tec
execute0_lowered:
.L_overlay_start_1:
0x0: {  	(tag) =	ssettag $0x1  }
0x1: {  	s0 =	rddreg [dreg:$0x0];
	s1 =	srdreg.scid  }
0x2: {  	_ =	strace $0x8000004D;
	s4 =	stileid.u32;
	s5 =	simm.s32 $0x1  }
0x3: {  	s31 =	simm.s32 $0x2;
	s17 =	simm.s32 $0x0;
	p0 =	por $0x0, $0x0  }
0x4: {  	s7 =	simm.s32 $0x80;
	s8 =	simm.s32 $0x400;
	s16 =	simm.s32 $0x0  }
0x5: {  	s18 =	simm.s32 $0x0;
	s9 =	simm.s32 $0x0;
	s11 =	simm.s32 $0x0  }
.Ltmp0:
0x6: {  	s12 =	simm.s32 $0x0;
	s1 =	sshll.u32 s1, $0x4;
	(pc) =	sbr.rel .LBB1_1-.Ltmp0, $4  }
0x7: {  	s13 =	simm.s32 $0x0;
	s10 =	simm.s32 $0x0;
	s30 =	sand.u32 $0x10, s1  }
0x8: {  	s2 =	sadd.s32 $0xB71E00, s0;
	s3 =	sadd.s32 $0xF42E00, s0;
	s0 =	sor.u32 s4, s30  }
0x9: {  	[sflag:s5] =	ssyncpa.u1 $0x0;
	s4 =	sand.u32 $0x3, s4;
	s6 =	sshrl.u32 s0, $0x2  }
0xa: {  	[sflag:s31] =	ssyncpa.u1 $0x0;
	s15 =	smov.u32 s4;
	s14 =	smov.u32 s6  }
.LBB1_13:
0xb: {  	p1 =	sgt.s32 s9, $0x1E05;
	s0 =	smov.u32 s9  }
0xc: {  	s0 =	simm.s32 @!p1 $0x1E05  }
0xd: {  	s0 =	sadd.s32 s19, s0  }
0xe: {  	s1 =	sadd.s32 $0xFFFFE1FB, s0  }
0xf: {  	s28 =	smul.u32 $0xF4280, s12;
	s0 =	ssub.s32 $0x1E85, s0;
	p1 =	sgt.s32 s1, $0x7F  }
0x10: {  	s29 =	sshll.u32 s9, $0x7;
	s0 =	simm.s32 @p1 $0x0  }
0x11: {  	s30 =	sshll.u32 s11, $0x4;
	s1 =	sadd.s32 s3, s28;
	s0 =	smul.u32 s0, s20  }
0x12: {  	s1 =	sadd.s32 s29, s1;
	s20 =	sand.u32 $0x70, s30  }
0x13: {  	s31 =	sor.u32 $0x8000, s22;
	s1 =	sadd.s32 s20, s1;
	s0 =	sand.u32 $0x3FFFFF80, s0  }
0x14: {  	[hbm4b:s1+s7] =	stream.strided.scatter [tilespmem:s31], [sflag:$0x2], s0, s8, s7, $0x38;
	[tilespmem:$0x10000] =	vst v63  }
.LBB1_14:
0x15: {  	p1 =	slt.u32 s10, $0x2;
	s0 =	smov.u32 s18  }
0x16: {  	p2 =	sgt.s32 @!p1 s18, $0x3;
	s1 =	sshra.s32 @!p1 s18, $0x1F;
	p3 =	sgt.s32 @!p1 s16, $0x7  }
0x17: {  	s19 =	sshra.s32 @!p1 s16, $0x1F;
	p2 =	por !p2, p1;
	s1 =	sand.u32 @!p1 s1, s18  }
0x18: {  	s18 =	smov.u32 s17;
	p3 =	por !p3, p1;
	s0 =	simm.s32 @p2 $0x3  }
0x19: {  	p2 =	sgt.s32 @!p1 s17, $0x1E05;
	s0 =	ssub.s32 @!p1 s0, s1;
	s1 =	sshra.s32 @!p1 s17, $0x1F  }
0x1a: {  	p2 =	por !p2, p1;
	s1 =	sand.u32 @!p1 s1, s17;
	s17 =	smov.u32 s16  }
0x1b: {  	s18 =	simm.s32 @p2 $0x1E05;
	s16 =	sand.u32 @!p1 s19, s16;
	s17 =	simm.s32 @p3 $0x7  }
0x1c: {  	s0 =	sadd.s32 @!p1 $0xFFFFFFFD, s0;
	s1 =	ssub.s32 @!p1 s18, s1;
	s16 =	ssub.s32 @!p1 s17, s16  }
0x1d: {  	p2 =	sgt.s32 @!p1 s0, $0x0;
	s0 =	sshll.u32 @!p1 s0, $0x7;
	s18 =	sadd.s32 @!p1 $0xFFFFFFF9, s16  }
0x1e: {  	s17 =	sadd.s32 @!p1 $0xFFFFE1FB, s1;
	s0 =	ssub.s32 @!p1 $0x80, s0;
	p3 =	sgt.s32 @!p1 s18, $0x0  }
0x1f: {  	p2 =	por !p2, p1;
	s16 =	ssub.s32 @!p1 $0x8, s16;
	p3 =	por !p3, p1  }
0x20: {  	s0 =	simm.s32 @!p2 $0x0;
	s16 =	simm.s32 @!p3 $0x0;
	p3 =	sgt.s32 @!p1 s17, $0x7F  }
0x21: {  	s1 =	ssub.s32 @!p1 $0x1E85, s1;
	p2 =	por !p3, p1;
	s0 =	smul.u32 @!p1 s16, s0  }
0x22: {  	s1 =	simm.s32 @!p2 $0x0  }
0x23: {  	s0 =	smul.u32 @!p1 s1, s0;
	s1 =	sadd.s32 $0x80, s13  }
0x24: {  	s19 =	smov.u32 s14;
	s16 =	sadd.s32 $0x8, s14;
	p2 =	sgt.s32 s1, $0x1E84  }
0x25: {  	s19 =	smov.u32 @p2 s16  }
0x26: {  	s21 =	smov.u32 s15;
	s16 =	sadd.s32 $0x4, s15;
	p3 =	sgt.s32 s19, $0x7  }
0x27: {  	s10 =	sadd.s32 $0x1, s10;
	p0 =	por !p0, !p0;
	s21 =	smov.u32 @p3 s16  }
0x28: {  	s20 =	simm.s32 @!p1 $0x2;
	s1 =	simm.s32 @p2 $0x0;
	p2 =	sgt.s32 s21, $0x3  }
0x29: {  	s18 =	smov.u32 s12;
	s21 =	smov.u32 @p2 s4;
	p2 =	sne.s32 s10, $0x40  }
.Ltmp1:
0x2a: {  	s12 =	smov.u32 s15;
	s0 =	sand.u32 @!p1 $0x3FFFFF80, s0;
	(pc) =	sbr.rel @!p2 .LBB1_15-.Ltmp1, $4  }
0x2b: {  	s17 =	smov.u32 s9;
	s9 =	smov.u32 s13;
	_ =	swait.ge @!p1 [sflag:s20], s0  }
0x2c: {  	s0 =	ssub.s32 @!p1 $0x0, s0;
	s13 =	smov.u32 s1;
	[sflag:s20] =	ssyncset.done @!p1 $0x0  }
0x2d: {  	s16 =	smov.u32 s11;
	s19 =	smov.u32 @p3 s6;
	s11 =	smov.u32 s14  }
0x2e: {  	[sflag:s20] =	ssyncadd.s32 @!p1 s0;
	s14 =	smov.u32 s19;
	s15 =	smov.u32 s21  }
.LBB1_1:
0x2f: {  	p1 =	sgt.u32 s10, $0x3D;
	s19 =	smov.u32 s15  }
0x30: {  	s0 =	sand.u32 @!p1 $0x1FFFFFF, s13;
	p2 =	sgt.s32 @!p1 s15, $0x3;
	s20 =	sshra.s32 @!p1 s15, $0x1F  }
0x31: {  	s21 =	sshra.s32 @!p1 s14, $0x1F;
	s1 =	smulhi.u32 @!p1 $0x218A169, s0;
	p2 =	por !p2, p1  }
0x32: {  	s20 =	sand.u32 @!p1 s20, s15;
	s21 =	sand.u32 @!p1 s21, s14;
	s19 =	simm.s32 @p2 $0x3  }
0x33: {  	p2 =	sgt.s32 @!p1 s14, $0x7;
	s1 =	sshrl.u32 @!p1 s1, $0x6;
	s19 =	ssub.s32 @!p1 s19, s20  }
0x34: {  	p2 =	por !p2, p1;
	s20 =	smov.u32 s14;
	s1 =	smul.u32 @!p1 $0x1E88, s1  }
0x35: {  	s20 =	simm.s32 @p2 $0x7;
	p2 =	sgt.s32 @!p1 s13, $0x1E08;
	s19 =	sadd.s32 @!p1 $0xFFFFFFFD, s19  }
0x36: {  	s20 =	ssub.s32 @!p1 s20, s21;
	p2 =	por !p2, p1;
	s21 =	smov.u32 s13  }
0x37: {  	p3 =	sgt.s32 @!p1 s19, $0x0;
	s19 =	sshll.u32 @!p1 s19, $0x7;
	s22 =	sadd.s32 @!p1 $0xFFFFFFF9, s20  }
0x38: {  	s21 =	simm.s32 @p2 $0x1E08;
	p2 =	sgt.s32 @!p1 s22, $0x0;
	s22 =	sshra.s32 @!p1 s13, $0x1F  }
0x39: {  	s20 =	ssub.s32 @!p1 $0x8, s20;
	s19 =	ssub.s32 @!p1 $0x80, s19;
	s22 =	sand.u32 @!p1 s22, s13  }
0x3a: {  	p3 =	por !p3, p1;
	p2 =	por !p2, p1;
	s21 =	ssub.s32 @!p1 s21, s22  }
0x3b: {  	s19 =	simm.s32 @!p3 $0x0;
	s20 =	simm.s32 @!p2 $0x0;
	s22 =	sadd.s32 @!p1 $0xFFFFE1F8, s21  }
0x3c: {  	s0 =	ssub.s32 @!p1 s0, s1;
	s19 =	smul.u32 @!p1 s20, s19;
	p2 =	sgt.s32 @!p1 s22, $0x7F  }
0x3d: {  	s20 =	ssub.s32 @!p1 $0x1E88, s21;
	s21 =	smul.u32 @!p1 $0xF4400, s15;
	p2 =	por !p2, p1  }
0x3e: {  	s1 =	smul.u32 @!p1 $0x1E880, s14;
	s22 =	sxor.u32 @!p1 $0xFFFFFFFF, s10;
	s20 =	simm.s32 @!p2 $0x0  }
0x3f: {  	s22 =	sshll.u32 @!p1 s22, $0xE;
	s19 =	smul.u32 @!p1 s20, s19;
	s20 =	sadd.s32 @!p1 s2, s21  }
0x40: {  	s0 =	sshll.u32 @!p1 s0, $0x4;
	s21 =	sand.u32 @!p1 $0x4000, s22;
	s1 =	sadd.s32 @!p1 s1, s20  }
0x41: {  	s19 =	sand.u32 @!p1 $0x3FFFFF80, s19;
	s0 =	sadd.s32 @!p1 s0, s1;
	s1 =	simm.s32 @!p1 $0x0  }
0x42: {  	[tilespmem:s21], [sflag:$0x1] =	stream.linear.gather @!p1 [hbm4b:s0+s1], s19, $0x38;
	[tilespmem:$0x10000] =	vst v63  }
0x43: {  	p1 =	seq.s32 s10, $0x0  }
0x44: {  	p2 =	seq.s32 @!p1 s10, $0x3F  }
0x45: {  	p1 =	por p1, p2  }
.Ltmp2:
0x46: {  	_ = 	snop;
	(pc) =	sbr.rel @p1 .LBB1_14-.Ltmp2, $1  }
0x47: {  	_ =	sdelay $0x3  }
0x48: {  	p1 =	sgt.s32 s12, $0x3  }
0x49: {  	s0 =	smov.u32 s12;
	s1 =	sshra.s32 s12, $0x1F;
	s19 =	sshra.s32 s11, $0x1F  }
0x4a: {  	s28 =	ssub.s32 $0x0, s9;
	s29 =	sshra.s32 s9, $0x1F;
	p2 =	sgt.s32 s9, $0x1E08  }
0x4b: {  	s21 =	smov.u32 s9;
	s0 =	simm.s32 @!p1 $0x3;
	s1 =	sand.u32 s1, s12  }
0x4c: {  	p1 =	sgt.s32 s11, $0x7;
	s0 =	ssub.s32 s0, s1;
	s1 =	smov.u32 s11  }
0x4d: {  	s19 =	sand.u32 s19, s11;
	s21 =	simm.s32 @!p2 $0x1E08;
	s1 =	simm.s32 @!p1 $0x7  }
0x4e: {  	s20 =	sadd.s32 $0xFFFFFFFD, s0;
	s0 =	ssub.s32 $0x4, s0;
	s1 =	ssub.s32 s1, s19  }
0x4f: {  	p1 =	sgt.s32 s20, $0x0;
	s19 =	sand.u32 s28, s29;
	s22 =	sadd.s32 $0xFFFFFFF9, s1  }
0x50: {  	s1 =	ssub.s32 $0x8, s1;
	s20 =	sadd.s32 s19, s21;
	p2 =	sgt.s32 s22, $0x0  }
0x51: {  	s0 =	simm.s32 @p1 $0x0;
	s21 =	sadd.s32 $0xFFFFE1F8, s20;
	s1 =	simm.s32 @p2 $0x0  }
0x52: {  	p1 =	sgt.s32 s21, $0x7F;
	s0 =	smul.u32 s0, s1;
	s1 =	ssub.s32 $0x1E88, s20  }
0x53: {  	s21 =	sadd.s32 $0x1, s12;
	s1 =	simm.s32 @p1 $0x0  }
0x54: {  	p1 =	slt.s32 s21, $0x4;
	s20 =	sshll.u32 s0, $0x7;
	s0 =	sadd.s32 $0x1, s11  }
0x55: {  	s21 =	simm.s32 @!p1 $0x4;
	p1 =	slt.s32 s0, $0x8  }
0x56: {  	s22 =	sadd.s32 $0x80, s9;
	s21 =	ssub.s32 s21, s12;
	s0 =	simm.s32 @!p1 $0x8  }
0x57: {  	p1 =	slt.s32 s22, $0x1E85;
	p2 =	slt.s32 s21, $0x1;
	s23 =	ssub.s32 s0, s11  }
0x58: {  	s22 =	simm.s32 @!p1 $0x1E85;
	p1 =	slt.s32 @!p2 s23, $0x1  }
0x59: {  	s24 =	ssub.s32 s22, s9;
	p1 =	por p2, p1  }
0x5a: {  	p2 =	slt.s32 @!p1 s24, $0x1  }
0x5b: {  	s1 =	smul.u32 s1, s20;
	p1 =	por p1, p2  }
.Ltmp3:
0x5c: {  	_ = 	snop;
	(pc) =	sbr.rel @p1 .LBB1_13-.Ltmp3, $4  }
0x5d: {  	s30 =	sand.u32 $0x3FFFFF80, s1  }
0x5e: {  	_ =	swait.ge [sflag:s5], s30  }
0x5f: {  	s31 =	sshll.u32 s10, $0xE;
	s1 =	ssub.s32 $0x0, s30;
	[sflag:s5] =	ssyncset.done $0x0  }
0x60: {  	s22 =	sand.u32 $0x4000, s31;
	[sflag:s5] =	ssyncadd.s32 s1  }
.Ltmp4:
0x61: {  	(pc) =	sbr.rel .LBB1_4-.Ltmp4, $4  }
0x62: {  	s0 =	simm.s32 $0x1  }
0x63: {  	s0 =	simm.s32 @!p0 $0x0  }
0x64: {  	s0 =	sshll.u32 s0, $0xE  }
0x65: {  	s26 =	simm.s32 $0x0;
	s25 =	sor.u32 $0x8000, s0  }
.LBB1_12:
0x66: {  	s26 =	sadd.s32 $0x1, s26  }
0x67: {  	p1 =	sne.s32 s26, s21  }
.Ltmp5:
0x68: {  	_ = 	snop;
	(pc) =	sbr.rel @!p1 .LBB1_13-.Ltmp5, $2  }
0x69: {  	_ =	sdelay $0x2  }
0x6a: {  	s25 =	sadd.s32 $0x4000, s25  }
.LBB1_4:
0x6b: {  	s27 =	simm.s32 $0x0;
	s28 =	simm.s32 $0x0  }
.LBB1_5:
0x6c: {  	s0 =	sadd.s32 s26, s28  }
0x6d: {  	s1 =	sshll.u32 s27, $0x2;
	s0 =	sshll.u32 s0, $0x10  }
0x6e: {  	s1 =	sand.u32 $0xE00, s1;
	s0 =	sshra.s32 s0, $0x2  }
0x6f: {  	p2 =	sne.s32 s24, $0x1;
	s1 =	sshrl.u32 s1, $0x2;
	s0 =	sadd.s32 s0, s22  }
.Ltmp6:
0x70: {  	v0 =	vmov s1;
	v1 =	vmov s0;
	(pc) =	sbr.rel @!p2 .LBB1_6-.Ltmp6, $3  }
0x71: {  	_ =	sdelay $0x1  }
0x72: {  	s29 =	simm.s32 $0x0  }
0x73: {  	p1 =	por $0x0, $0x0;
	s30 =	sand.u32 $0x3F80, s29;
	s1 =	sadd.s32 $0xFFFFFFFF, s24  }
0x74: {  	_ =	sdelay $0x3  }
0x75: {  	v7 =	vld.idx.msk [tilespmem:v1+s30+$0x70 ss:$0x1], $0xffff  }
0x76: {  	v8 =	vld.idx.msk [tilespmem:v1+s30+$0x0 ss:$0x1], $0xffff  }
0x77: {  	v2 =	vld.idx.msk [tilespmem:v1+s30+$0x10 ss:$0x1], $0xffff;
	p2 =	sne.s32 s1, $0x1  }
.Ltmp7:
0x78: {  	v3 =	vld.idx.msk [tilespmem:v1+s30+$0x20 ss:$0x1], $0xffff;
	(pc) =	sbr.rel @!p2 .LBB1_8-.Ltmp7, $4  }
0x79: {  	v4 =	vld.idx.msk [tilespmem:v1+s30+$0x30 ss:$0x1], $0xffff  }
0x7a: {  	v5 =	vld.idx.msk [tilespmem:v1+s30+$0x40 ss:$0x1], $0xffff  }
0x7b: {  	v6 =	vld.idx.msk [tilespmem:v1+s30+$0x50 ss:$0x1], $0xffff;
	s0 =	simm.s32 $0x80;
	s1 =	sadd.s32 $0xFFFFFFFF, s1;
	[tilespmem:v0+s25+$0x70 ss:$0x1] =	vst.idx.msk $0xffff, v7  }
0x7c: {  	p1 =	por $0x1, $0x1;
	s29 =	smov.u32 s25;
	s31 =	sand.u32 $0x3F80, s0;
	[tilespmem:v0+s25+$0x0 ss:$0x1] =	vst.idx.msk $0xffff, v8;
	v7 =	vld.idx.msk [tilespmem:v1+s30+$0x60 ss:$0x1], $0xffff  }
.LBB1_9:
0x7d: {  	p2 =	sne.s32 s1, $0x1;
	v8 =	vld.idx.msk [tilespmem:v1+s31+$0x70 ss:$0x1], $0xffff;
	[tilespmem:v0+s29+$0x10 ss:$0x1] =	vst.idx.msk $0xffff, v2  }
0x7e: {  	v9 =	vld.idx.msk [tilespmem:v1+s31+$0x0 ss:$0x1], $0xffff;
	[tilespmem:v0+s29+$0x20 ss:$0x1] =	vst.idx.msk $0xffff, v3  }
0x7f: {  	v2 =	vld.idx.msk [tilespmem:v1+s31+$0x10 ss:$0x1], $0xffff;
	[tilespmem:v0+s29+$0x30 ss:$0x1] =	vst.idx.msk $0xffff, v4  }
.Ltmp8:
0x80: {  	v3 =	vld.idx.msk [tilespmem:v1+s31+$0x20 ss:$0x1], $0xffff;
	[tilespmem:v0+s29+$0x40 ss:$0x1] =	vst.idx.msk $0xffff, v5;
	(pc) =	sbr.rel @p2 .LBB1_9-.Ltmp8, $4  }
0x81: {  	v4 =	vld.idx.msk [tilespmem:v1+s31+$0x30 ss:$0x1], $0xffff;
	[tilespmem:v0+s29+$0x50 ss:$0x1] =	vst.idx.msk $0xffff, v6  }
0x82: {  	v5 =	vld.idx.msk [tilespmem:v1+s31+$0x40 ss:$0x1], $0xffff;
	[tilespmem:v0+s29+$0x60 ss:$0x1] =	vst.idx.msk $0xffff, v7;
	s29 =	sadd.s32 $0x80, s29  }
0x83: {  	s0 =	sadd.s32 $0x80, s0;
	v6 =	vld.idx.msk [tilespmem:v1+s31+$0x50 ss:$0x1], $0xffff;
	[tilespmem:v0+s29+$0x70 ss:$0x1] =	vst.idx.msk $0xffff, v8  }
0x84: {  	s1 =	sadd.s32 $0xFFFFFFFF, s1;
	[tilespmem:v0+s29+$0x0 ss:$0x1] =	vst.idx.msk $0xffff, v9;
	v7 =	vld.idx.msk [tilespmem:v1+s31+$0x60 ss:$0x1], $0xffff;
	s31 =	sand.u32 $0x3F80, s0  }
0x85: {  	s30 =	smov.u32 s31  }
.LBB1_11:
0x86: {  	_ =	sdelay $0x3  }
0x87: {  	[tilespmem:v0+s29+$0x10 ss:$0x1] =	vst.idx.msk @p1 $0xffff, v2  }
0x88: {  	v56 =	vld.idx.msk [tilespmem:v1+s30+$0x70 ss:$0x1], $0xffff;
	[tilespmem:v0+s29+$0x20 ss:$0x1] =	vst.idx.msk @p1 $0xffff, v3  }
0x89: {  	v57 =	vld.idx.msk [tilespmem:v1+s30+$0x0 ss:$0x1], $0xffff;
	[tilespmem:v0+s29+$0x30 ss:$0x1] =	vst.idx.msk @p1 $0xffff, v4  }
0x8a: {  	v58 =	vld.idx.msk [tilespmem:v1+s30+$0x10 ss:$0x1], $0xffff;
	[tilespmem:v0+s29+$0x40 ss:$0x1] =	vst.idx.msk @p1 $0xffff, v5  }
0x8b: {  	v59 =	vld.idx.msk [tilespmem:v1+s30+$0x20 ss:$0x1], $0xffff;
	s0 =	sadd.s32 @p1 $0x80, s29;
	s1 =	smov.u32 s25;
	[tilespmem:v0+s29+$0x50 ss:$0x1] =	vst.idx.msk @p1 $0xffff, v6  }
0x8c: {  	v60 =	vld.idx.msk [tilespmem:v1+s30+$0x30 ss:$0x1], $0xffff;
	s1 =	smov.u32 @p1 s0;
	[tilespmem:v0+s29+$0x60 ss:$0x1] =	vst.idx.msk @p1 $0xffff, v7  }
0x8d: {  	v61 =	vld.idx.msk [tilespmem:v1+s30+$0x40 ss:$0x1], $0xffff;
	[tilespmem:v0+s1+$0x70 ss:$0x1] =	vst.idx.msk $0xffff, v56  }
0x8e: {  	v62 =	vld.idx.msk [tilespmem:v1+s30+$0x50 ss:$0x1], $0xffff;
	s28 =	sadd.s32 $0x1, s28;
	[tilespmem:v0+s1+$0x0 ss:$0x1] =	vst.idx.msk $0xffff, v57  }
0x8f: {  	v63 =	vld.idx.msk [tilespmem:v1+s30+$0x60 ss:$0x1], $0xffff;
	p1 =	sne.s32 s28, s23;
	[tilespmem:v0+s1+$0x10 ss:$0x1] =	vst.idx.msk $0xffff, v58  }
.Ltmp9:
0x90: {  	[tilespmem:v0+s1+$0x20 ss:$0x1] =	vst.idx.msk $0xffff, v59;
	(pc) =	sbr.rel @p1 .LBB1_5-.Ltmp9, $4  }
.Ltmp10:
0x91: {  	[tilespmem:v0+s1+$0x30 ss:$0x1] =	vst.idx.msk $0xffff, v60;
	(pc) =	sbr.rel @!p1 .LBB1_12-.Ltmp10, $4  }
0x92: {  	[tilespmem:v0+s1+$0x40 ss:$0x1] =	vst.idx.msk $0xffff, v61  }
0x93: {  	[tilespmem:v0+s1+$0x50 ss:$0x1] =	vst.idx.msk $0xffff, v62  }
0x94: {  	s27 =	sadd.s32 $0x80, s27;
	[tilespmem:v0+s1+$0x60 ss:$0x1] =	vst.idx.msk $0xffff, v63  }
0x95: {  	_ = 	snop  }
.LBB1_6:
.Ltmp11:
0x96: {  	(pc) =	sbr.rel .LBB1_11-.Ltmp11, $2  }
0x97: {  	_ =	sdelay $0x2  }
0x98: {  	s29 =	smov.u32 s25  }
.LBB1_8:
.Ltmp12:
0x99: {  	(pc) =	sbr.rel .LBB1_11-.Ltmp12, $2  }
0x9a: {  	_ =	sdelay $0x2  }
0x9b: {  	s30 =	smov.u32 s31;
	s29 =	smov.u32 s25  }
.LBB1_15:
0x9c: {  	_ =	sfence.sel $0x180000  }
0x9d: {  	s0 =	simm.s32 $0x1;
	[bflag:$0x0] =	sbarrier.arrive $0xFFFF  }
0x9e: {  	s30 =	simm.s32 $0x2;
	[sflag:s0] =	ssyncpa.u1 $0x1  }
0x9f: {  	[sflag:s30] =	ssyncpa.u1 $0x1  }
0xa0: {  	_ =	strace $0x9000004D  }
0xa1: {  	s31 =	stileid.u32;
	[bflag:$0x2] =	sbarrier.arrive $0xFFFF  }
0xa2: {  	p0 =	sne.s32 s31, $0x0;
	s0 =	rddreg [dreg:$0x1]  }
0xa3: {  	s0 =	sadd.s32 @!p0 $0x100000, s0  }
0xa4: {  	[sflag:s0] =	ssyncadd.tile.s32 @!p0 $0x1;
	_ =	shalt  }
.Lfunc_end1:
_tile_overlayer_lowered:
.L_overlay_start_2:
0xa5: {  	(tag) =	ssettag $0x2  }
0xa6: {  	s0 =	rddreg [dreg:$0x0];
	s2 =	stileid.u32  }
0xa7: {  	s1 =	rddreg [dreg:$0x1];
	p0 =	sne.s32 s2, $0x0  }
0xa8: {  	s3 =	rddreg [dreg:$0x2];
	[bflag:$0x3] =	sbarrier.arrive $0xFFFF;
	s2 =	simm.s32 @!p0 $0x1C01  }
0xa9: {  	[timem:s3], [sflag:s2] =	dma.local @!p0 [hbm:s0], s1  }
0xaa: {  	s0 =	simm.s32 @!p0 $0x1  }
0xab: {  	_ =	swait.ge @!p0 [sflag:s0], s1  }
0xac: {  	s1 =	ssub.s32 @!p0 $0x0, s1;
	[sflag:s0] =	ssyncset.done @!p0 $0x0  }
0xad: {  	[sflag:s0] =	ssyncadd.s32 @!p0 s1  }
0xae: {  	[bflag:$0x3] =	sbarrier.arrive $0xFFFF  }
0xaf: {  	_ =	shalt  }

</sc_bundles>
